<compile_context>
chip_gen: v7x
topology: tpu7x:2x2x1
jax: 0.10.2.dev20260603
libtpu: 0.0.44.dev20260713+nightly
codegen_flags: <defaults>
</compile_context>

<pallas_src>
import functools

import jax
import jax.numpy as jnp
from jax import lax
from jax.experimental import pallas as pl
from jax.experimental.pallas import tpu as pltpu
from jax.experimental.pallas import tpu_sc as plsc

_LANES = 16
_CHUNK_IDX = 64


@functools.lru_cache(maxsize=None)
def _make_lookup(n_idx, vocab, dim, repeats, num_cores, num_subcores):
    nw = num_cores * num_subcores
    idx_per_w = n_idx // nw
    rows_per_chunk = _CHUNK_IDX * repeats
    rows_per_w = idx_per_w * repeats
    n_chunks = idx_per_w // _CHUNK_IDX
    assert idx_per_w * nw == n_idx
    assert n_chunks * _CHUNK_IDX == idx_per_w and n_chunks % 2 == 0
    assert _CHUNK_IDX % _LANES == 0
    vregs_per_chunk = _CHUNK_IDX // _LANES

    mesh = plsc.VectorSubcoreMesh(
        core_axis_name="c", subcore_axis_name="s",
        num_cores=num_cores, num_subcores=num_subcores)

    @functools.partial(
        pl.kernel,
        out_type=jax.ShapeDtypeStruct((n_idx * repeats, dim), jnp.float32),
        mesh=mesh,
        compiler_params=pltpu.CompilerParams(needs_layout_passes=False),
        scratch_types=[
            pltpu.VMEM((n_chunks, _CHUNK_IDX), jnp.int32),
            pltpu.VMEM((n_chunks * repeats, _CHUNK_IDX), jnp.int32),
            pltpu.VMEM((_CHUNK_IDX, dim), jnp.float32),
            pltpu.VMEM((_CHUNK_IDX, dim), jnp.float32),
            pltpu.SemaphoreType.DMA,
            pltpu.SemaphoreType.DMA,
            pltpu.SemaphoreType.DMA,
            pltpu.SemaphoreType.DMA,
        ],
    )
    def lookup(codec_hbm, table_hbm, out_hbm, idx_v, opos_v, buf0, buf1,
               g0, g1, w0, w1):
        wid = lax.axis_index("s") * num_cores + lax.axis_index("c")
        row_base = wid * rows_per_w

        pltpu.sync_copy(codec_hbm.at[pl.ds(wid * n_chunks, n_chunks)], idx_v)

        bufs = (buf0, buf1)
        gsems = (g0, g1)
        wsems = (w0, w1)

        def gather(chunk, slot):
            return pltpu.make_async_copy(
                table_hbm.at[idx_v.at[chunk]], bufs[slot], gsems[slot])

        gather(0, 0).start()
        gather(1, 1).start()

        def build(gc, carry):
            for r in range(repeats):
                for j in range(vregs_per_chunk):
                    vals = (row_base + gc * rows_per_chunk + r
                            + repeats * (j * _LANES
                                         + lax.iota(jnp.int32, _LANES)))
                    opos_v[gc * repeats + r, pl.ds(j * _LANES, _LANES)] = vals
            return carry
        lax.fori_loop(0, n_chunks, build, 0)

        def scatter(chunk, slot, r):
            return pltpu.make_async_copy(
                bufs[slot], out_hbm.at[opos_v.at[chunk * repeats + r]],
                wsems[slot])

        def step(g, carry):
            for b in range(2):
                gc = 2 * g + b
                other = 1 - b
                if b == 0:
                    @pl.when(g > 0)
                    def _():
                        for r in range(repeats):
                            scatter(gc - 1, other, r).wait()
                        gather(gc + 1, other).start()
                else:
                    for r in range(repeats):
                        scatter(gc - 1, other, r).wait()

                    @pl.when(g < n_chunks // 2 - 1)
                    def _():
                        gather(gc + 1, other).start()
                gather(gc, b).wait()
                for r in range(repeats):
                    scatter(gc, b, r).start()
            return carry
        lax.fori_loop(0, n_chunks // 2, step, 0)

        for r in range(repeats):
            scatter(n_chunks - 1, 1, r).wait()

    return lookup


def kernel(codec, codec_embed, seq_len):
    b, nc = codec.shape
    vocab, dim = codec_embed.shape
    try:
        repeats = int(seq_len) // nc
    except (TypeError, jax.errors.ConcretizationTypeError):
        repeats = 2
    info = plsc.get_sparse_core_info()
    fn = _make_lookup(b * nc, vocab, dim, repeats,
                      info.num_cores, info.num_subcores)
    out = fn(codec.reshape(-1, _CHUNK_IDX), codec_embed)
    return out.reshape(b, nc * repeats, dim)

# --- scband reference (transcript-rebuilt; emitter-appended) ---
"""Pipeline reference for scband-codec-embedding-49392123904606 (READ-ONLY COPY).

The authoritative reference and input builder live on the scoring server;
editing this copy changes nothing except your own understanding.
"""

import jax, jax.numpy as jnp
import numpy as np

B, NC = 16, 2048
VOCAB = 1024 + 1
DIM = 512
REPEATS = 2


def setup_inputs(seed: int = 0) -> dict:
    key = jax.random.key(seed)
    k1, k2 = jax.random.split(key)
    codec = jax.random.randint(k1, (B, NC), 0, VOCAB, dtype=jnp.int32)
    codec_embed = jax.random.normal(k2, (VOCAB, DIM), dtype=jnp.float32)
    return {"codec": codec, "codec_embed": codec_embed, "seq_len": NC * REPEATS}


def reference(codec, codec_embed, seq_len):
    # Embedding lookup: gather rows of the table (SparseCore-friendly)
    emb = jnp.take(codec_embed, codec, axis=0)  # [B, NC, DIM]
    # repeat_interleave along the sequence (nc) dimension
    out = jnp.repeat(emb, repeats=REPEATS, axis=1)  # [B, NC*REPEATS, DIM]
    return out

if __name__ == "__main__":
    import jax
    _d = setup_inputs()
    print(jax.jit(kernel)(*tuple(_d.values())))

</pallas_src>

<mosaic_0001>
#map = affine_map<(d0, d1) -> (0, 0)>
module attributes {stable_mosaic.version = 14 : i64} {
  func.func @lookup(%arg0: i32, %arg1: i32, %arg2: memref<512x64xi32, #tpu.memory_space<hbm>>, %arg3: memref<1025x512xf32, #tpu.memory_space<hbm>>, %arg4: memref<65536x512xf32, #tpu.memory_space<hbm>>, %arg5: memref<16x64xi32, #tpu.memory_space<vmem>>, %arg6: memref<32x64xi32, #tpu.memory_space<vmem>>, %arg7: memref<64x512xf32, #tpu.memory_space<vmem>>, %arg8: memref<64x512xf32, #tpu.memory_space<vmem>>, %arg9: memref<!tpu.dma_semaphore, #tpu.memory_space<semaphore_mem>>, %arg10: memref<!tpu.dma_semaphore, #tpu.memory_space<semaphore_mem>>, %arg11: memref<!tpu.dma_semaphore, #tpu.memory_space<semaphore_mem>>, %arg12: memref<!tpu.dma_semaphore, #tpu.memory_space<semaphore_mem>>) attributes {dimension_semantics = [#tpu.dimension_semantics<core_parallel>, #tpu.dimension_semantics<subcore_parallel>], iteration_bounds = array<i64: 2, 16>, scalar_prefetch = 0 : i64, scratch_operands = 8 : i64, tpu.core_type = #tpu.core_type<sc_vector_subcore>, window_params = [{transform_indices = #map}, {transform_indices = #map}, {transform_indices = #map}]} {
    %mul3A = arith.constant 2 : i32
    %mul3A_0 = arith.muli %arg1, %mul3A : i32
    %add3A = arith.addi %mul3A_0, %arg0 : i32
    %mul3A_1 = arith.constant 2048 : i32
    %mul3A_2 = arith.muli %add3A, %mul3A_1 : i32
    %mul3A_3 = arith.constant 16 : i32
    %mul3A_4 = arith.muli %add3A, %mul3A_3 : i32
    "tpu.region"() ({
      %run_scoped3A = tpu.sem_alloc : memref<!tpu.dma_semaphore, #tpu.memory_space<semaphore_mem>>
      %dma_start3A_42 = arith.constant 0 : i32
      %dma_start3A_43 = tpu.memref_slice %arg2[%mul3A_4, %dma_start3A_42] : memref<512x64xi32, #tpu.memory_space<hbm>> -> memref<16x64xi32, #tpu.memory_space<hbm>>
      %dma_start3A_44 = arith.constant 0 : i32
      %dma_start3A_45 = tpu.memref_slice %arg2[%mul3A_4, %dma_start3A_44] : memref<512x64xi32, #tpu.memory_space<hbm>> -> memref<16x64xi32, #tpu.memory_space<hbm>>
      tpu.enqueue_dma source(%dma_start3A_45 : memref<16x64xi32, #tpu.memory_space<hbm>>) target(%arg5 : memref<16x64xi32, #tpu.memory_space<vmem>>) target_semaphore(%run_scoped3A : memref<!tpu.dma_semaphore, #tpu.memory_space<semaphore_mem>>)
      %dma_wait3A_46 = arith.constant 0 : i32
      %dma_wait3A_47 = tpu.memref_slice %arg2[%mul3A_4, %dma_wait3A_46] : memref<512x64xi32, #tpu.memory_space<hbm>> -> memref<16x64xi32, #tpu.memory_space<hbm>>
      %dma_wait3A_48 = arith.constant 0 : i32
      %dma_wait3A_49 = tpu.memref_slice %arg2[%mul3A_4, %dma_wait3A_48] : memref<512x64xi32, #tpu.memory_space<hbm>> -> memref<16x64xi32, #tpu.memory_space<hbm>>
      tpu.wait_dma2 semaphore(%run_scoped3A : memref<!tpu.dma_semaphore, #tpu.memory_space<semaphore_mem>>) src(%dma_wait3A_49 : memref<16x64xi32, #tpu.memory_space<hbm>>) dst(%arg5 : memref<16x64xi32, #tpu.memory_space<vmem>>)
      tpu.yield
    }) : () -> ()
    %dma_start3A = arith.constant 0 : i32
    %dma_start3A_5 = arith.constant 0 : i32
    %dma_start3A_6 = tpu.memref_slice %arg5[%dma_start3A, %dma_start3A_5] : memref<16x64xi32, #tpu.memory_space<vmem>> -> memref<1x64xi32, #tpu.memory_space<vmem>>
    %dma_start3A_7 = tpu.memref_squeeze %dma_start3A_6 : memref<1x64xi32, #tpu.memory_space<vmem>> -> memref<64xi32, #tpu.memory_space<vmem>>
    %dma_start3A_8 = arith.constant 0 : i32
    %dma_start3A_9 = arith.constant 0 : i32
    %dma_start3A_10 = tpu.memref_slice %arg3[%dma_start3A_8, %dma_start3A_9] : memref<1025x512xf32, #tpu.memory_space<hbm>> -> memref<1025x512xf32, #tpu.memory_space<hbm>>
    tpu.enqueue_indirect_dma source(%dma_start3A_10 : memref<1025x512xf32, #tpu.memory_space<hbm>>) target(%arg7 : memref<64x512xf32, #tpu.memory_space<vmem>>) offsets(%dma_start3A_7 : memref<64xi32, #tpu.memory_space<vmem>>) semaphore(%arg9 : memref<!tpu.dma_semaphore, #tpu.memory_space<semaphore_mem>>)
    %dma_start3A_11 = arith.constant 1 : i32
    %dma_start3A_12 = arith.constant 0 : i32
    %dma_start3A_13 = tpu.memref_slice %arg5[%dma_start3A_11, %dma_start3A_12] : memref<16x64xi32, #tpu.memory_space<vmem>> -> memref<1x64xi32, #tpu.memory_space<vmem>>
    %dma_start3A_14 = tpu.memref_squeeze %dma_start3A_13 : memref<1x64xi32, #tpu.memory_space<vmem>> -> memref<64xi32, #tpu.memory_space<vmem>>
    %dma_start3A_15 = arith.constant 0 : i32
    %dma_start3A_16 = arith.constant 0 : i32
    %dma_start3A_17 = tpu.memref_slice %arg3[%dma_start3A_15, %dma_start3A_16] : memref<1025x512xf32, #tpu.memory_space<hbm>> -> memref<1025x512xf32, #tpu.memory_space<hbm>>
    tpu.enqueue_indirect_dma source(%dma_start3A_17 : memref<1025x512xf32, #tpu.memory_space<hbm>>) target(%arg8 : memref<64x512xf32, #tpu.memory_space<vmem>>) offsets(%dma_start3A_14 : memref<64xi32, #tpu.memory_space<vmem>>) semaphore(%arg10 : memref<!tpu.dma_semaphore, #tpu.memory_space<semaphore_mem>>)
    %scan3A = arith.constant 0 : i32
    %scan3A_18 = arith.constant 0 : i32
    %scan3A_19 = arith.constant 16 : i32
    %scan3A_20 = arith.addi %scan3A_18, %scan3A_19 : i32
    %scan3A_21 = arith.constant 1 : i32
    scf.for %scan3A_42 = %scan3A_18 to %scan3A_20 step %scan3A_21  : i32 {
      %mul3A_43 = arith.constant 128 : i32
      %mul3A_44 = arith.muli %scan3A_42, %mul3A_43 : i32
      %add3A_45 = arith.addi %mul3A_2, %mul3A_44 : i32
      %add3A_46 = arith.constant 0 : i32
      %add3A_47 = arith.addi %add3A_45, %add3A_46 : i32
      %iota3A = tpu.iota {dimensions = array<i32: 0>} : vector<16xi32>
      %add3A_48 = arith.constant 0 : i32
      %add3A_49 = vector.broadcast %add3A_48 : i32 to vector<16xi32>
      %add3A_50 = arith.addi %add3A_49, %iota3A : vector<16xi32>
      %mul3A_51 = arith.constant 2 : i32
      %mul3A_52 = vector.broadcast %mul3A_51 : i32 to vector<16xi32>
      %mul3A_53 = arith.muli %mul3A_52, %add3A_50 : vector<16xi32>
      %add3A_54 = vector.broadcast %add3A_47 : i32 to vector<16xi32>
      %add3A_55 = arith.addi %add3A_54, %mul3A_53 : vector<16xi32>
      %mul3A_56 = arith.constant 2 : i32
      %mul3A_57 = arith.muli %scan3A_42, %mul3A_56 : i32
      %add3A_58 = arith.constant 0 : i32
      %add3A_59 = arith.addi %mul3A_57, %add3A_58 : i32
      %swap3A = arith.index_cast %add3A_59 : i32 to index
      %swap3A_60 = arith.constant 0 : index
      %swap3A_61 = tpu.vector_load %arg6[%swap3A, %swap3A_60] {strides = array<i32>} : memref<32x64xi32, #tpu.memory_space<vmem>>, vector<16xi32>,
      tpu.vector_store %arg6[%swap3A, %swap3A_60], %add3A_55 {strides = array<i32>} : memref<32x64xi32, #tpu.memory_space<vmem>>, vector<16xi32>,
      %mul3A_62 = arith.constant 128 : i32
      %mul3A_63 = arith.muli %scan3A_42, %mul3A_62 : i32
      %add3A_64 = arith.addi %mul3A_2, %mul3A_63 : i32
      %add3A_65 = arith.constant 0 : i32
      %add3A_66 = arith.addi %add3A_64, %add3A_65 : i32
      %iota3A_67 = tpu.iota {dimensions = array<i32: 0>} : vector<16xi32>
      %add3A_68 = arith.constant 16 : i32
      %add3A_69 = vector.broadcast %add3A_68 : i32 to vector<16xi32>
      %add3A_70 = arith.addi %add3A_69, %iota3A_67 : vector<16xi32>
      %mul3A_71 = arith.constant 2 : i32
      %mul3A_72 = vector.broadcast %mul3A_71 : i32 to vector<16xi32>
      %mul3A_73 = arith.muli %mul3A_72, %add3A_70 : vector<16xi32>
      %add3A_74 = vector.broadcast %add3A_66 : i32 to vector<16xi32>
      %add3A_75 = arith.addi %add3A_74, %mul3A_73 : vector<16xi32>
      %mul3A_76 = arith.constant 2 : i32
      %mul3A_77 = arith.muli %scan3A_42, %mul3A_76 : i32
      %add3A_78 = arith.constant 0 : i32
      %add3A_79 = arith.addi %mul3A_77, %add3A_78 : i32
      %swap3A_80 = arith.index_cast %add3A_79 : i32 to index
      %swap3A_81 = arith.constant 16 : index
      %swap3A_82 = tpu.vector_load %arg6[%swap3A_80, %swap3A_81] {strides = array<i32>} : memref<32x64xi32, #tpu.memory_space<vmem>>, vector<16xi32>,
      tpu.vector_store %arg6[%swap3A_80, %swap3A_81], %add3A_75 {strides = array<i32>} : memref<32x64xi32, #tpu.memory_space<vmem>>, vector<16xi32>,
      %mul3A_83 = arith.constant 128 : i32
      %mul3A_84 = arith.muli %scan3A_42, %mul3A_83 : i32
      %add3A_85 = arith.addi %mul3A_2, %mul3A_84 : i32
      %add3A_86 = arith.constant 0 : i32
      %add3A_87 = arith.addi %add3A_85, %add3A_86 : i32
      %iota3A_88 = tpu.iota {dimensions = array<i32: 0>} : vector<16xi32>
      %add3A_89 = arith.constant 32 : i32
      %add3A_90 = vector.broadcast %add3A_89 : i32 to vector<16xi32>
      %add3A_91 = arith.addi %add3A_90, %iota3A_88 : vector<16xi32>
      %mul3A_92 = arith.constant 2 : i32
      %mul3A_93 = vector.broadcast %mul3A_92 : i32 to vector<16xi32>
      %mul3A_94 = arith.muli %mul3A_93, %add3A_91 : vector<16xi32>
      %add3A_95 = vector.broadcast %add3A_87 : i32 to vector<16xi32>
      %add3A_96 = arith.addi %add3A_95, %mul3A_94 : vector<16xi32>
      %mul3A_97 = arith.constant 2 : i32
      %mul3A_98 = arith.muli %scan3A_42, %mul3A_97 : i32
      %add3A_99 = arith.constant 0 : i32
      %add3A_100 = arith.addi %mul3A_98, %add3A_99 : i32
      %swap3A_101 = arith.index_cast %add3A_100 : i32 to index
      %swap3A_102 = arith.constant 32 : index
      %swap3A_103 = tpu.vector_load %arg6[%swap3A_101, %swap3A_102] {strides = array<i32>} : memref<32x64xi32, #tpu.memory_space<vmem>>, vector<16xi32>,
      tpu.vector_store %arg6[%swap3A_101, %swap3A_102], %add3A_96 {strides = array<i32>} : memref<32x64xi32, #tpu.memory_space<vmem>>, vector<16xi32>,
      %mul3A_104 = arith.constant 128 : i32
      %mul3A_105 = arith.muli %scan3A_42, %mul3A_104 : i32
      %add3A_106 = arith.addi %mul3A_2, %mul3A_105 : i32
      %add3A_107 = arith.constant 0 : i32
      %add3A_108 = arith.addi %add3A_106, %add3A_107 : i32
      %iota3A_109 = tpu.iota {dimensions = array<i32: 0>} : vector<16xi32>
      %add3A_110 = arith.constant 48 : i32
      %add3A_111 = vector.broadcast %add3A_110 : i32 to vector<16xi32>
      %add3A_112 = arith.addi %add3A_111, %iota3A_109 : vector<16xi32>
      %mul3A_113 = arith.constant 2 : i32
      %mul3A_114 = vector.broadcast %mul3A_113 : i32 to vector<16xi32>
      %mul3A_115 = arith.muli %mul3A_114, %add3A_112 : vector<16xi32>
      %add3A_116 = vector.broadcast %add3A_108 : i32 to vector<16xi32>
      %add3A_117 = arith.addi %add3A_116, %mul3A_115 : vector<16xi32>
      %mul3A_118 = arith.constant 2 : i32
      %mul3A_119 = arith.muli %scan3A_42, %mul3A_118 : i32
      %add3A_120 = arith.constant 0 : i32
      %add3A_121 = arith.addi %mul3A_119, %add3A_120 : i32
      %swap3A_122 = arith.index_cast %add3A_121 : i32 to index
      %swap3A_123 = arith.constant 48 : index
      %swap3A_124 = tpu.vector_load %arg6[%swap3A_122, %swap3A_123] {strides = array<i32>} : memref<32x64xi32, #tpu.memory_space<vmem>>, vector<16xi32>,
      tpu.vector_store %arg6[%swap3A_122, %swap3A_123], %add3A_117 {strides = array<i32>} : memref<32x64xi32, #tpu.memory_space<vmem>>, vector<16xi32>,
      %mul3A_125 = arith.constant 128 : i32
      %mul3A_126 = arith.muli %scan3A_42, %mul3A_125 : i32
      %add3A_127 = arith.addi %mul3A_2, %mul3A_126 : i32
      %add3A_128 = arith.constant 1 : i32
      %add3A_129 = arith.addi %add3A_127, %add3A_128 : i32
      %iota3A_130 = tpu.iota {dimensions = array<i32: 0>} : vector<16xi32>
      %add3A_131 = arith.constant 0 : i32
      %add3A_132 = vector.broadcast %add3A_131 : i32 to vector<16xi32>
      %add3A_133 = arith.addi %add3A_132, %iota3A_130 : vector<16xi32>
      %mul3A_134 = arith.constant 2 : i32
      %mul3A_135 = vector.broadcast %mul3A_134 : i32 to vector<16xi32>
      %mul3A_136 = arith.muli %mul3A_135, %add3A_133 : vector<16xi32>
      %add3A_137 = vector.broadcast %add3A_129 : i32 to vector<16xi32>
      %add3A_138 = arith.addi %add3A_137, %mul3A_136 : vector<16xi32>
      %mul3A_139 = arith.constant 2 : i32
      %mul3A_140 = arith.muli %scan3A_42, %mul3A_139 : i32
      %add3A_141 = arith.constant 1 : i32
      %add3A_142 = arith.addi %mul3A_140, %add3A_141 : i32
      %swap3A_143 = arith.index_cast %add3A_142 : i32 to index
      %swap3A_144 = arith.constant 0 : index
      %swap3A_145 = tpu.vector_load %arg6[%swap3A_143, %swap3A_144] {strides = array<i32>} : memref<32x64xi32, #tpu.memory_space<vmem>>, vector<16xi32>,
      tpu.vector_store %arg6[%swap3A_143, %swap3A_144], %add3A_138 {strides = array<i32>} : memref<32x64xi32, #tpu.memory_space<vmem>>, vector<16xi32>,
      %mul3A_146 = arith.constant 128 : i32
      %mul3A_147 = arith.muli %scan3A_42, %mul3A_146 : i32
      %add3A_148 = arith.addi %mul3A_2, %mul3A_147 : i32
      %add3A_149 = arith.constant 1 : i32
      %add3A_150 = arith.addi %add3A_148, %add3A_149 : i32
      %iota3A_151 = tpu.iota {dimensions = array<i32: 0>} : vector<16xi32>
      %add3A_152 = arith.constant 16 : i32
      %add3A_153 = vector.broadcast %add3A_152 : i32 to vector<16xi32>
      %add3A_154 = arith.addi %add3A_153, %iota3A_151 : vector<16xi32>
      %mul3A_155 = arith.constant 2 : i32
      %mul3A_156 = vector.broadcast %mul3A_155 : i32 to vector<16xi32>
      %mul3A_157 = arith.muli %mul3A_156, %add3A_154 : vector<16xi32>
      %add3A_158 = vector.broadcast %add3A_150 : i32 to vector<16xi32>
      %add3A_159 = arith.addi %add3A_158, %mul3A_157 : vector<16xi32>
      %mul3A_160 = arith.constant 2 : i32
      %mul3A_161 = arith.muli %scan3A_42, %mul3A_160 : i32
      %add3A_162 = arith.constant 1 : i32
      %add3A_163 = arith.addi %mul3A_161, %add3A_162 : i32
      %swap3A_164 = arith.index_cast %add3A_163 : i32 to index
      %swap3A_165 = arith.constant 16 : index
      %swap3A_166 = tpu.vector_load %arg6[%swap3A_164, %swap3A_165] {strides = array<i32>} : memref<32x64xi32, #tpu.memory_space<vmem>>, vector<16xi32>,
      tpu.vector_store %arg6[%swap3A_164, %swap3A_165], %add3A_159 {strides = array<i32>} : memref<32x64xi32, #tpu.memory_space<vmem>>, vector<16xi32>,
      %mul3A_167 = arith.constant 128 : i32
      %mul3A_168 = arith.muli %scan3A_42, %mul3A_167 : i32
      %add3A_169 = arith.addi %mul3A_2, %mul3A_168 : i32
      %add3A_170 = arith.constant 1 : i32
      %add3A_171 = arith.addi %add3A_169, %add3A_170 : i32
      %iota3A_172 = tpu.iota {dimensions = array<i32: 0>} : vector<16xi32>
      %add3A_173 = arith.constant 32 : i32
      %add3A_174 = vector.broadcast %add3A_173 : i32 to vector<16xi32>
      %add3A_175 = arith.addi %add3A_174, %iota3A_172 : vector<16xi32>
      %mul3A_176 = arith.constant 2 : i32
      %mul3A_177 = vector.broadcast %mul3A_176 : i32 to vector<16xi32>
      %mul3A_178 = arith.muli %mul3A_177, %add3A_175 : vector<16xi32>
      %add3A_179 = vector.broadcast %add3A_171 : i32 to vector<16xi32>
      %add3A_180 = arith.addi %add3A_179, %mul3A_178 : vector<16xi32>
      %mul3A_181 = arith.constant 2 : i32
      %mul3A_182 = arith.muli %scan3A_42, %mul3A_181 : i32
      %add3A_183 = arith.constant 1 : i32
      %add3A_184 = arith.addi %mul3A_182, %add3A_183 : i32
      %swap3A_185 = arith.index_cast %add3A_184 : i32 to index
      %swap3A_186 = arith.constant 32 : index
      %swap3A_187 = tpu.vector_load %arg6[%swap3A_185, %swap3A_186] {strides = array<i32>} : memref<32x64xi32, #tpu.memory_space<vmem>>, vector<16xi32>,
      tpu.vector_store %arg6[%swap3A_185, %swap3A_186], %add3A_180 {strides = array<i32>} : memref<32x64xi32, #tpu.memory_space<vmem>>, vector<16xi32>,
      %mul3A_188 = arith.constant 128 : i32
      %mul3A_189 = arith.muli %scan3A_42, %mul3A_188 : i32
      %add3A_190 = arith.addi %mul3A_2, %mul3A_189 : i32
      %add3A_191 = arith.constant 1 : i32
      %add3A_192 = arith.addi %add3A_190, %add3A_191 : i32
      %iota3A_193 = tpu.iota {dimensions = array<i32: 0>} : vector<16xi32>
      %add3A_194 = arith.constant 48 : i32
      %add3A_195 = vector.broadcast %add3A_194 : i32 to vector<16xi32>
      %add3A_196 = arith.addi %add3A_195, %iota3A_193 : vector<16xi32>
      %mul3A_197 = arith.constant 2 : i32
      %mul3A_198 = vector.broadcast %mul3A_197 : i32 to vector<16xi32>
      %mul3A_199 = arith.muli %mul3A_198, %add3A_196 : vector<16xi32>
      %add3A_200 = vector.broadcast %add3A_192 : i32 to vector<16xi32>
      %add3A_201 = arith.addi %add3A_200, %mul3A_199 : vector<16xi32>
      %mul3A_202 = arith.constant 2 : i32
      %mul3A_203 = arith.muli %scan3A_42, %mul3A_202 : i32
      %add3A_204 = arith.constant 1 : i32
      %add3A_205 = arith.addi %mul3A_203, %add3A_204 : i32
      %swap3A_206 = arith.index_cast %add3A_205 : i32 to index
      %swap3A_207 = arith.constant 48 : index
      %swap3A_208 = tpu.vector_load %arg6[%swap3A_206, %swap3A_207] {strides = array<i32>} : memref<32x64xi32, #tpu.memory_space<vmem>>, vector<16xi32>,
      tpu.vector_store %arg6[%swap3A_206, %swap3A_207], %add3A_201 {strides = array<i32>} : memref<32x64xi32, #tpu.memory_space<vmem>>, vector<16xi32>,
    }
    %scan3A_22 = arith.constant 16 : i32
    %scan3A_23 = arith.constant 0 : i32
    %scan3A_24 = arith.constant 0 : i32
    %scan3A_25 = arith.constant 8 : i32
    %scan3A_26 = arith.addi %scan3A_24, %scan3A_25 : i32
    %scan3A_27 = arith.constant 1 : i32
    scf.for %scan3A_42 = %scan3A_24 to %scan3A_26 step %scan3A_27  : i32 {
      %mul3A_43 = arith.constant 2 : i32
      %mul3A_44 = arith.muli %mul3A_43, %scan3A_42 : i32
      %add3A_45 = arith.constant 0 : i32
      %add3A_46 = arith.addi %mul3A_44, %add3A_45 : i32
      %gt3A = arith.constant 0 : i32
      %gt3A_47 = arith.cmpi sgt, %scan3A_42, %gt3A : i32
      %convert_element_type3A = arith.extui %gt3A_47 : i1 to i32
      %cond3A = arith.constant 0 : i32
      %cond3A_48 = arith.cmpi ne, %convert_element_type3A, %cond3A : i32
      scf.if %cond3A_48 {
        %sub3A_132 = arith.constant 1 : i32
        %sub3A_133 = arith.subi %add3A_46, %sub3A_132 : i32
        %mul3A_134 = arith.constant 2 : i32
        %mul3A_135 = arith.muli %sub3A_133, %mul3A_134 : i32
        %add3A_136 = arith.constant 0 : i32
        %add3A_137 = arith.addi %mul3A_135, %add3A_136 : i32
        %dma_wait3A_138 = arith.constant 0 : i32
        %dma_wait3A_139 = tpu.memref_slice %arg6[%add3A_137, %dma_wait3A_138] : memref<32x64xi32, #tpu.memory_space<vmem>> -> memref<1x64xi32, #tpu.memory_space<vmem>>
        %dma_wait3A_140 = tpu.memref_squeeze %dma_wait3A_139 : memref<1x64xi32, #tpu.memory_space<vmem>> -> memref<64xi32, #tpu.memory_space<vmem>>
        %dma_wait3A_141 = arith.constant 0 : i32
        %dma_wait3A_142 = arith.constant 0 : i32
        %dma_wait3A_143 = tpu.memref_slice %arg4[%dma_wait3A_141, %dma_wait3A_142] : memref<65536x512xf32, #tpu.memory_space<hbm>> -> memref<65536x512xf32, #tpu.memory_space<hbm>>
        tpu.wait_indirect_dma semaphore(%arg12 : memref<!tpu.dma_semaphore, #tpu.memory_space<semaphore_mem>>) src(%arg8 : memref<64x512xf32, #tpu.memory_space<vmem>>) dst(%dma_wait3A_143 : memref<65536x512xf32, #tpu.memory_space<hbm>>)
        %sub3A_144 = arith.constant 1 : i32
        %sub3A_145 = arith.subi %add3A_46, %sub3A_144 : i32
        %mul3A_146 = arith.constant 2 : i32
        %mul3A_147 = arith.muli %sub3A_145, %mul3A_146 : i32
        %add3A_148 = arith.constant 1 : i32
        %add3A_149 = arith.addi %mul3A_147, %add3A_148 : i32
        %dma_wait3A_150 = arith.constant 0 : i32
        %dma_wait3A_151 = tpu.memref_slice %arg6[%add3A_149, %dma_wait3A_150] : memref<32x64xi32, #tpu.memory_space<vmem>> -> memref<1x64xi32, #tpu.memory_space<vmem>>
        %dma_wait3A_152 = tpu.memref_squeeze %dma_wait3A_151 : memref<1x64xi32, #tpu.memory_space<vmem>> -> memref<64xi32, #tpu.memory_space<vmem>>
        %dma_wait3A_153 = arith.constant 0 : i32
        %dma_wait3A_154 = arith.constant 0 : i32
        %dma_wait3A_155 = tpu.memref_slice %arg4[%dma_wait3A_153, %dma_wait3A_154] : memref<65536x512xf32, #tpu.memory_space<hbm>> -> memref<65536x512xf32, #tpu.memory_space<hbm>>
        tpu.wait_indirect_dma semaphore(%arg12 : memref<!tpu.dma_semaphore, #tpu.memory_space<semaphore_mem>>) src(%arg8 : memref<64x512xf32, #tpu.memory_space<vmem>>) dst(%dma_wait3A_155 : memref<65536x512xf32, #tpu.memory_space<hbm>>)
        %add3A_156 = arith.constant 1 : i32
        %add3A_157 = arith.addi %add3A_46, %add3A_156 : i32
        %dma_start3A_158 = arith.constant 0 : i32
        %dma_start3A_159 = tpu.memref_slice %arg5[%add3A_157, %dma_start3A_158] : memref<16x64xi32, #tpu.memory_space<vmem>> -> memref<1x64xi32, #tpu.memory_space<vmem>>
        %dma_start3A_160 = tpu.memref_squeeze %dma_start3A_159 : memref<1x64xi32, #tpu.memory_space<vmem>> -> memref<64xi32, #tpu.memory_space<vmem>>
        %dma_start3A_161 = arith.constant 0 : i32
        %dma_start3A_162 = arith.constant 0 : i32
        %dma_start3A_163 = tpu.memref_slice %arg3[%dma_start3A_161, %dma_start3A_162] : memref<1025x512xf32, #tpu.memory_space<hbm>> -> memref<1025x512xf32, #tpu.memory_space<hbm>>
        tpu.enqueue_indirect_dma source(%dma_start3A_163 : memref<1025x512xf32, #tpu.memory_space<hbm>>) target(%arg8 : memref<64x512xf32, #tpu.memory_space<vmem>>) offsets(%dma_start3A_160 : memref<64xi32, #tpu.memory_space<vmem>>) semaphore(%arg10 : memref<!tpu.dma_semaphore, #tpu.memory_space<semaphore_mem>>)
      } else {
      }
      %dma_wait3A_49 = arith.constant 0 : i32
      %dma_wait3A_50 = tpu.memref_slice %arg5[%add3A_46, %dma_wait3A_49] : memref<16x64xi32, #tpu.memory_space<vmem>> -> memref<1x64xi32, #tpu.memory_space<vmem>>
      %dma_wait3A_51 = tpu.memref_squeeze %dma_wait3A_50 : memref<1x64xi32, #tpu.memory_space<vmem>> -> memref<64xi32, #tpu.memory_space<vmem>>
      %dma_wait3A_52 = arith.constant 0 : i32
      %dma_wait3A_53 = arith.constant 0 : i32
      %dma_wait3A_54 = tpu.memref_slice %arg3[%dma_wait3A_52, %dma_wait3A_53] : memref<1025x512xf32, #tpu.memory_space<hbm>> -> memref<1025x512xf32, #tpu.memory_space<hbm>>
      tpu.wait_indirect_dma semaphore(%arg9 : memref<!tpu.dma_semaphore, #tpu.memory_space<semaphore_mem>>) src(%dma_wait3A_54 : memref<1025x512xf32, #tpu.memory_space<hbm>>) dst(%arg7 : memref<64x512xf32, #tpu.memory_space<vmem>>)
      %mul3A_55 = arith.constant 2 : i32
      %mul3A_56 = arith.muli %add3A_46, %mul3A_55 : i32
      %add3A_57 = arith.constant 0 : i32
      %add3A_58 = arith.addi %mul3A_56, %add3A_57 : i32
      %dma_start3A_59 = arith.constant 0 : i32
      %dma_start3A_60 = tpu.memref_slice %arg6[%add3A_58, %dma_start3A_59] : memref<32x64xi32, #tpu.memory_space<vmem>> -> memref<1x64xi32, #tpu.memory_space<vmem>>
      %dma_start3A_61 = tpu.memref_squeeze %dma_start3A_60 : memref<1x64xi32, #tpu.memory_space<vmem>> -> memref<64xi32, #tpu.memory_space<vmem>>
      %dma_start3A_62 = arith.constant 0 : i32
      %dma_start3A_63 = arith.constant 0 : i32
      %dma_start3A_64 = tpu.memref_slice %arg4[%dma_start3A_62, %dma_start3A_63] : memref<65536x512xf32, #tpu.memory_space<hbm>> -> memref<65536x512xf32, #tpu.memory_space<hbm>>
      tpu.enqueue_indirect_dma source(%arg7 : memref<64x512xf32, #tpu.memory_space<vmem>>) target(%dma_start3A_64 : memref<65536x512xf32, #tpu.memory_space<hbm>>) offsets(%dma_start3A_61 : memref<64xi32, #tpu.memory_space<vmem>>) semaphore(%arg11 : memref<!tpu.dma_semaphore, #tpu.memory_space<semaphore_mem>>)
      %mul3A_65 = arith.constant 2 : i32
      %mul3A_66 = arith.muli %add3A_46, %mul3A_65 : i32
      %add3A_67 = arith.constant 1 : i32
      %add3A_68 = arith.addi %mul3A_66, %add3A_67 : i32
      %dma_start3A_69 = arith.constant 0 : i32
      %dma_start3A_70 = tpu.memref_slice %arg6[%add3A_68, %dma_start3A_69] : memref<32x64xi32, #tpu.memory_space<vmem>> -> memref<1x64xi32, #tpu.memory_space<vmem>>
      %dma_start3A_71 = tpu.memref_squeeze %dma_start3A_70 : memref<1x64xi32, #tpu.memory_space<vmem>> -> memref<64xi32, #tpu.memory_space<vmem>>
      %dma_start3A_72 = arith.constant 0 : i32
      %dma_start3A_73 = arith.constant 0 : i32
      %dma_start3A_74 = tpu.memref_slice %arg4[%dma_start3A_72, %dma_start3A_73] : memref<65536x512xf32, #tpu.memory_space<hbm>> -> memref<65536x512xf32, #tpu.memory_space<hbm>>
      tpu.enqueue_indirect_dma source(%arg7 : memref<64x512xf32, #tpu.memory_space<vmem>>) target(%dma_start3A_74 : memref<65536x512xf32, #tpu.memory_space<hbm>>) offsets(%dma_start3A_71 : memref<64xi32, #tpu.memory_space<vmem>>) semaphore(%arg11 : memref<!tpu.dma_semaphore, #tpu.memory_space<semaphore_mem>>)
      %mul3A_75 = arith.constant 2 : i32
      %mul3A_76 = arith.muli %mul3A_75, %scan3A_42 : i32
      %add3A_77 = arith.constant 1 : i32
      %add3A_78 = arith.addi %mul3A_76, %add3A_77 : i32
      %sub3A = arith.constant 1 : i32
      %sub3A_79 = arith.subi %add3A_78, %sub3A : i32
      %mul3A_80 = arith.constant 2 : i32
      %mul3A_81 = arith.muli %sub3A_79, %mul3A_80 : i32
      %add3A_82 = arith.constant 0 : i32
      %add3A_83 = arith.addi %mul3A_81, %add3A_82 : i32
      %dma_wait3A_84 = arith.constant 0 : i32
      %dma_wait3A_85 = tpu.memref_slice %arg6[%add3A_83, %dma_wait3A_84] : memref<32x64xi32, #tpu.memory_space<vmem>> -> memref<1x64xi32, #tpu.memory_space<vmem>>
      %dma_wait3A_86 = tpu.memref_squeeze %dma_wait3A_85 : memref<1x64xi32, #tpu.memory_space<vmem>> -> memref<64xi32, #tpu.memory_space<vmem>>
      %dma_wait3A_87 = arith.constant 0 : i32
      %dma_wait3A_88 = arith.constant 0 : i32
      %dma_wait3A_89 = tpu.memref_slice %arg4[%dma_wait3A_87, %dma_wait3A_88] : memref<65536x512xf32, #tpu.memory_space<hbm>> -> memref<65536x512xf32, #tpu.memory_space<hbm>>
      tpu.wait_indirect_dma semaphore(%arg11 : memref<!tpu.dma_semaphore, #tpu.memory_space<semaphore_mem>>) src(%arg7 : memref<64x512xf32, #tpu.memory_space<vmem>>) dst(%dma_wait3A_89 : memref<65536x512xf32, #tpu.memory_space<hbm>>)
      %sub3A_90 = arith.constant 1 : i32
      %sub3A_91 = arith.subi %add3A_78, %sub3A_90 : i32
      %mul3A_92 = arith.constant 2 : i32
      %mul3A_93 = arith.muli %sub3A_91, %mul3A_92 : i32
      %add3A_94 = arith.constant 1 : i32
      %add3A_95 = arith.addi %mul3A_93, %add3A_94 : i32
      %dma_wait3A_96 = arith.constant 0 : i32
      %dma_wait3A_97 = tpu.memref_slice %arg6[%add3A_95, %dma_wait3A_96] : memref<32x64xi32, #tpu.memory_space<vmem>> -> memref<1x64xi32, #tpu.memory_space<vmem>>
      %dma_wait3A_98 = tpu.memref_squeeze %dma_wait3A_97 : memref<1x64xi32, #tpu.memory_space<vmem>> -> memref<64xi32, #tpu.memory_space<vmem>>
      %dma_wait3A_99 = arith.constant 0 : i32
      %dma_wait3A_100 = arith.constant 0 : i32
      %dma_wait3A_101 = tpu.memref_slice %arg4[%dma_wait3A_99, %dma_wait3A_100] : memref<65536x512xf32, #tpu.memory_space<hbm>> -> memref<65536x512xf32, #tpu.memory_space<hbm>>
      tpu.wait_indirect_dma semaphore(%arg11 : memref<!tpu.dma_semaphore, #tpu.memory_space<semaphore_mem>>) src(%arg7 : memref<64x512xf32, #tpu.memory_space<vmem>>) dst(%dma_wait3A_101 : memref<65536x512xf32, #tpu.memory_space<hbm>>)
      %lt3A = arith.constant 7 : i32
      %lt3A_102 = arith.cmpi slt, %scan3A_42, %lt3A : i32
      %convert_element_type3A_103 = arith.extui %lt3A_102 : i1 to i32
      %cond3A_104 = arith.constant 0 : i32
      %cond3A_105 = arith.cmpi ne, %convert_element_type3A_103, %cond3A_104 : i32
      scf.if %cond3A_105 {
        %add3A_132 = arith.constant 1 : i32
        %add3A_133 = arith.addi %add3A_78, %add3A_132 : i32
        %dma_start3A_134 = arith.constant 0 : i32
        %dma_start3A_135 = tpu.memref_slice %arg5[%add3A_133, %dma_start3A_134] : memref<16x64xi32, #tpu.memory_space<vmem>> -> memref<1x64xi32, #tpu.memory_space<vmem>>
        %dma_start3A_136 = tpu.memref_squeeze %dma_start3A_135 : memref<1x64xi32, #tpu.memory_space<vmem>> -> memref<64xi32, #tpu.memory_space<vmem>>
        %dma_start3A_137 = arith.constant 0 : i32
        %dma_start3A_138 = arith.constant 0 : i32
        %dma_start3A_139 = tpu.memref_slice %arg3[%dma_start3A_137, %dma_start3A_138] : memref<1025x512xf32, #tpu.memory_space<hbm>> -> memref<1025x512xf32, #tpu.memory_space<hbm>>
        tpu.enqueue_indirect_dma source(%dma_start3A_139 : memref<1025x512xf32, #tpu.memory_space<hbm>>) target(%arg7 : memref<64x512xf32, #tpu.memory_space<vmem>>) offsets(%dma_start3A_136 : memref<64xi32, #tpu.memory_space<vmem>>) semaphore(%arg9 : memref<!tpu.dma_semaphore, #tpu.memory_space<semaphore_mem>>)
      } else {
      }
      %dma_wait3A_106 = arith.constant 0 : i32
      %dma_wait3A_107 = tpu.memref_slice %arg5[%add3A_78, %dma_wait3A_106] : memref<16x64xi32, #tpu.memory_space<vmem>> -> memref<1x64xi32, #tpu.memory_space<vmem>>
      %dma_wait3A_108 = tpu.memref_squeeze %dma_wait3A_107 : memref<1x64xi32, #tpu.memory_space<vmem>> -> memref<64xi32, #tpu.memory_space<vmem>>
      %dma_wait3A_109 = arith.constant 0 : i32
      %dma_wait3A_110 = arith.constant 0 : i32
      %dma_wait3A_111 = tpu.memref_slice %arg3[%dma_wait3A_109, %dma_wait3A_110] : memref<1025x512xf32, #tpu.memory_space<hbm>> -> memref<1025x512xf32, #tpu.memory_space<hbm>>
      tpu.wait_indirect_dma semaphore(%arg10 : memref<!tpu.dma_semaphore, #tpu.memory_space<semaphore_mem>>) src(%dma_wait3A_111 : memref<1025x512xf32, #tpu.memory_space<hbm>>) dst(%arg8 : memref<64x512xf32, #tpu.memory_space<vmem>>)
      %mul3A_112 = arith.constant 2 : i32
      %mul3A_113 = arith.muli %add3A_78, %mul3A_112 : i32
      %add3A_114 = arith.constant 0 : i32
      %add3A_115 = arith.addi %mul3A_113, %add3A_114 : i32
      %dma_start3A_116 = arith.constant 0 : i32
      %dma_start3A_117 = tpu.memref_slice %arg6[%add3A_115, %dma_start3A_116] : memref<32x64xi32, #tpu.memory_space<vmem>> -> memref<1x64xi32, #tpu.memory_space<vmem>>
      %dma_start3A_118 = tpu.memref_squeeze %dma_start3A_117 : memref<1x64xi32, #tpu.memory_space<vmem>> -> memref<64xi32, #tpu.memory_space<vmem>>
      %dma_start3A_119 = arith.constant 0 : i32
      %dma_start3A_120 = arith.constant 0 : i32
      %dma_start3A_121 = tpu.memref_slice %arg4[%dma_start3A_119, %dma_start3A_120] : memref<65536x512xf32, #tpu.memory_space<hbm>> -> memref<65536x512xf32, #tpu.memory_space<hbm>>
      tpu.enqueue_indirect_dma source(%arg8 : memref<64x512xf32, #tpu.memory_space<vmem>>) target(%dma_start3A_121 : memref<65536x512xf32, #tpu.memory_space<hbm>>) offsets(%dma_start3A_118 : memref<64xi32, #tpu.memory_space<vmem>>) semaphore(%arg12 : memref<!tpu.dma_semaphore, #tpu.memory_space<semaphore_mem>>)
      %mul3A_122 = arith.constant 2 : i32
      %mul3A_123 = arith.muli %add3A_78, %mul3A_122 : i32
      %add3A_124 = arith.constant 1 : i32
      %add3A_125 = arith.addi %mul3A_123, %add3A_124 : i32
      %dma_start3A_126 = arith.constant 0 : i32
      %dma_start3A_127 = tpu.memref_slice %arg6[%add3A_125, %dma_start3A_126] : memref<32x64xi32, #tpu.memory_space<vmem>> -> memref<1x64xi32, #tpu.memory_space<vmem>>
      %dma_start3A_128 = tpu.memref_squeeze %dma_start3A_127 : memref<1x64xi32, #tpu.memory_space<vmem>> -> memref<64xi32, #tpu.memory_space<vmem>>
      %dma_start3A_129 = arith.constant 0 : i32
      %dma_start3A_130 = arith.constant 0 : i32
      %dma_start3A_131 = tpu.memref_slice %arg4[%dma_start3A_129, %dma_start3A_130] : memref<65536x512xf32, #tpu.memory_space<hbm>> -> memref<65536x512xf32, #tpu.memory_space<hbm>>
      tpu.enqueue_indirect_dma source(%arg8 : memref<64x512xf32, #tpu.memory_space<vmem>>) target(%dma_start3A_131 : memref<65536x512xf32, #tpu.memory_space<hbm>>) offsets(%dma_start3A_128 : memref<64xi32, #tpu.memory_space<vmem>>) semaphore(%arg12 : memref<!tpu.dma_semaphore, #tpu.memory_space<semaphore_mem>>)
    }
    %scan3A_28 = arith.constant 8 : i32
    %dma_wait3A = arith.constant 30 : i32
    %dma_wait3A_29 = arith.constant 0 : i32
    %dma_wait3A_30 = tpu.memref_slice %arg6[%dma_wait3A, %dma_wait3A_29] : memref<32x64xi32, #tpu.memory_space<vmem>> -> memref<1x64xi32, #tpu.memory_space<vmem>>
    %dma_wait3A_31 = tpu.memref_squeeze %dma_wait3A_30 : memref<1x64xi32, #tpu.memory_space<vmem>> -> memref<64xi32, #tpu.memory_space<vmem>>
    %dma_wait3A_32 = arith.constant 0 : i32
    %dma_wait3A_33 = arith.constant 0 : i32
    %dma_wait3A_34 = tpu.memref_slice %arg4[%dma_wait3A_32, %dma_wait3A_33] : memref<65536x512xf32, #tpu.memory_space<hbm>> -> memref<65536x512xf32, #tpu.memory_space<hbm>>
    tpu.wait_indirect_dma semaphore(%arg12 : memref<!tpu.dma_semaphore, #tpu.memory_space<semaphore_mem>>) src(%arg8 : memref<64x512xf32, #tpu.memory_space<vmem>>) dst(%dma_wait3A_34 : memref<65536x512xf32, #tpu.memory_space<hbm>>)
    %dma_wait3A_35 = arith.constant 31 : i32
    %dma_wait3A_36 = arith.constant 0 : i32
    %dma_wait3A_37 = tpu.memref_slice %arg6[%dma_wait3A_35, %dma_wait3A_36] : memref<32x64xi32, #tpu.memory_space<vmem>> -> memref<1x64xi32, #tpu.memory_space<vmem>>
    %dma_wait3A_38 = tpu.memref_squeeze %dma_wait3A_37 : memref<1x64xi32, #tpu.memory_space<vmem>> -> memref<64xi32, #tpu.memory_space<vmem>>
    %dma_wait3A_39 = arith.constant 0 : i32
    %dma_wait3A_40 = arith.constant 0 : i32
    %dma_wait3A_41 = tpu.memref_slice %arg4[%dma_wait3A_39, %dma_wait3A_40] : memref<65536x512xf32, #tpu.memory_space<hbm>> -> memref<65536x512xf32, #tpu.memory_space<hbm>>
    tpu.wait_indirect_dma semaphore(%arg12 : memref<!tpu.dma_semaphore, #tpu.memory_space<semaphore_mem>>) src(%arg8 : memref<64x512xf32, #tpu.memory_space<vmem>>) dst(%dma_wait3A_41 : memref<65536x512xf32, #tpu.memory_space<hbm>>)
    return
  }
}

</mosaic_0001>

<sc_bundles>
// kernel: kernel.3.cloned.1.call-start
scs
__scs_entry_jumppad:
0x0: {  	(pc) =	sbr.rel $0x88, $3  }
0x1: {  	(tag) =	ssettag $0x0;
	lr =	simm.s32 $0x1  }
0x2: {  	[smem:$0x3F9F] =	sst lr;
	_ =	strace $0xD0000000  }
0x3: {  	_ = 	snop  }
0x4: {  	_ = 	snop  }
0x5: {  	_ = 	snop  }
0x6: {  	_ = 	snop  }
0x7: {  	_ = 	snop  }
__scs_overlays_trampoline_lowered:
0x8: {  	[smem:$0x3FAE] =	sst s0  }
0x9: {  	[smem:$0x3FAF] =	sst s1  }
0xa: {  	[smem:$0x3FB0] =	sst s2  }
0xb: {  	[smem:$0x3FB1] =	sst s3  }
0xc: {  	[smem:$0x3FB2] =	sst s4  }
0xd: {  	[smem:$0x3FB3] =	sst s5  }
0xe: {  	[smem:$0x3FB4] =	sst s6  }
0xf: {  	[smem:$0x3FB5] =	sst s7  }
0x10: {  	[smem:$0x3FB6] =	sst s8  }
0x11: {  	[smem:$0x3FB7] =	sst s9;
	s0 =	simm.s32 @!p0 $0x0  }
0x12: {  	s1 =	sld [smem:$0x3F9D];
	s0 =	simm.s32 @p0 $0x1  }
0x13: {  	[smem:$0x3FB8] =	sst s0;
	s0 =	simm.s32 @!p1 $0x0  }
0x14: {  	s2 =	sld [smem:$0x3F9C];
	s0 =	simm.s32 @p1 $0x1  }
0x15: {  	[smem:$0x3FB9] =	sst s0;
	s0 =	simm.s32 @!p2 $0x0  }
0x16: {  	s3 =	sld [smem:$0x3FDB];
	s0 =	simm.s32 @p2 $0x1  }
0x17: {  	s4 =	simm.s32 $0x1BF5;
	[smem:$0x3FBB] =	sst s0  }
0x18: {  	s0 =	sld [smem:$0x3F9E];
	_ =	swait.ge [sflag:s4], $0x0  }
0x19: {  	s7 =	sld [smem:$0x3F9F]  }
0x1a: {  	s8 =	sadd.s32 $0xFFFFE003, lr  }
0x1b: {  	s9 =	sadd.s32 $0xFFFFFEF7, lr;
	s5 =	simm.s32 $0xFFFFFFFF;
	p2 =	slt.u32 s8, $0xFFFFF086  }
0x1c: {  	p1 =	slt.u32 s9, $0xF7A;
	s5 =	simm.s32 @!p2 $0x0  }
0x1d: {  	s5 =	simm.s32 @p1 $0x1;
	p0 =	seq.s32 s7, s2  }
0x1e: {  	s7 =	smul.u32 @!p0 $0xF7A, s2;
	p2 =	seq.s32 @!p0 s5, $0x0  }
0x1f: {  	s9 =	smul.u32 $0xF7A, s1;
	s8 =	simm.s32 @!p0 $0x1BF5;
	p2 =	por !p2, p0  }
0x20: {  	[sflag:s8] =	ssyncset.s32 @!p0 $0xFFFFF086;
	s6 =	sadd.s32 @!p0 s3, s7;
	s7 =	simm.s32 @!p0 $0x108  }
0x21: {  	s3 =	sadd.s32 s3, s9;
	s6 =	sadd.s32 @!p0 $0x88, s6;
	s7 =	simm.s32 @p2 $0x1082  }
0x22: {  	[simem:s7], [sflag:s8] =	dma.local @!p0 [hbm:s6], $0xF7A  }
0x23: {  	s9 =	sor.u32 $0xD0000000, s2;
	s6 =	simm.s32 $0x108;
	_ =	swait.ge @!p0 [sflag:s8], $0x0  }
0x24: {  	s3 =	sadd.s32 $0x88, s3;
	s6 =	simm.s32 @!p1 $0x1082;
	[sflag:s4] =	ssyncset.s32 $0xFFFFF086  }
0x25: {  	[simem:s6], [sflag:s4] =	dma.local [hbm:s3], $0xF7A  }
0x26: {  	[smem:$0x3F9F] =	sst s1;
	(tag) =	ssettag s2;
	_ =	strace s9  }
0x27: {  	s1 =	sld [smem:$0x3FAF]  }
0x28: {  	s2 =	sld [smem:$0x3FB0]  }
0x29: {  	s4 =	sld [smem:$0x3FB2]  }
0x2a: {  	p0 =	seq.s32 s5, $0x0;
	s5 =	sld [smem:$0x3FB3]  }
0x2b: {  	s6 =	sld [smem:$0x3FB4]  }
0x2c: {  	s7 =	sld [smem:$0x3FB5]  }
0x2d: {  	s3 =	simm.s32 $0x108;
	s8 =	sld [smem:$0x3FB6]  }
0x2e: {  	s3 =	simm.s32 @!p0 $0x1082;
	s9 =	sld [smem:$0x3FB7]  }
0x2f: {  	lr =	sadd.s32 s0, s3;
	s0 =	sld [smem:$0x3FAE]  }
0x30: {  	s3 =	sld [smem:$0x3FB1]  }
0x31: {  	[smem:$0x3FBA] =	sst s10  }
0x32: {  	s10 =	sld [smem:$0x3FB8];
	_ =	sdelay $0x3  }
0x33: {  	p0 =	seq.s32 s10, $0x1;
	s10 =	sld [smem:$0x3FBA];
	_ =	sdelay $0x3  }
0x34: {  	[smem:$0x3FBA] =	sst s10  }
0x35: {  	s10 =	sld [smem:$0x3FB9];
	_ =	sdelay $0x3  }
0x36: {  	p1 =	seq.s32 s10, $0x1;
	s10 =	sld [smem:$0x3FBA];
	_ =	sdelay $0x3  }
0x37: {  	[smem:$0x3FBA] =	sst s10  }
0x38: {  	s10 =	sld [smem:$0x3FBB]  }
0x39: {  	_ = 	snop;
	(pc) =	sbr.ind lr, $3  }
0x3a: {  	_ = 	snop  }
0x3b: {  	_ = 	snop  }
0x3c: {  	p2 =	seq.s32 s10, $0x1;
	s10 =	sld [smem:$0x3FBA]  }
0x3d: {  	_ =	shalt  }
0x3e: {  	_ =	shalt  }
0x3f: {  	_ =	shalt  }
0x40: {  	_ =	shalt  }
0x41: {  	_ =	shalt  }
0x42: {  	_ =	shalt  }
0x43: {  	_ =	shalt  }
0x44: {  	_ =	shalt  }
0x45: {  	_ =	shalt  }
0x46: {  	_ =	shalt  }
0x47: {  	_ =	shalt  }
0x48: {  	_ =	shalt  }
0x49: {  	_ =	shalt  }
0x4a: {  	_ =	shalt  }
0x4b: {  	_ =	shalt  }
0x4c: {  	_ =	shalt  }
0x4d: {  	_ =	shalt  }
0x4e: {  	_ =	shalt  }
0x4f: {  	_ =	shalt  }
0x50: {  	_ =	shalt  }
0x51: {  	_ =	shalt  }
0x52: {  	_ =	shalt  }
0x53: {  	_ =	shalt  }
0x54: {  	_ =	shalt  }
0x55: {  	_ =	shalt  }
0x56: {  	_ =	shalt  }
0x57: {  	_ =	shalt  }
0x58: {  	_ =	shalt  }
0x59: {  	_ =	shalt  }
0x5a: {  	_ =	shalt  }
0x5b: {  	_ =	shalt  }
0x5c: {  	_ =	shalt  }
0x5d: {  	_ =	shalt  }
0x5e: {  	_ =	shalt  }
0x5f: {  	_ =	shalt  }
0x60: {  	_ =	shalt  }
0x61: {  	_ =	shalt  }
0x62: {  	_ =	shalt  }
0x63: {  	_ =	shalt  }
0x64: {  	_ =	shalt  }
0x65: {  	_ =	shalt  }
0x66: {  	_ =	shalt  }
0x67: {  	_ =	shalt  }
0x68: {  	_ =	shalt  }
0x69: {  	_ =	shalt  }
0x6a: {  	_ =	shalt  }
0x6b: {  	_ =	shalt  }
0x6c: {  	_ =	shalt  }
0x6d: {  	_ =	shalt  }
0x6e: {  	_ =	shalt  }
0x6f: {  	_ =	shalt  }
0x70: {  	_ =	shalt  }
0x71: {  	_ =	shalt  }
0x72: {  	_ =	shalt  }
0x73: {  	_ =	shalt  }
0x74: {  	_ =	shalt  }
0x75: {  	_ =	shalt  }
0x76: {  	_ =	shalt  }
0x77: {  	_ =	shalt  }
0x78: {  	_ =	shalt  }
0x79: {  	_ =	shalt  }
0x7a: {  	_ =	shalt  }
0x7b: {  	_ =	shalt  }
0x7c: {  	_ =	shalt  }
0x7d: {  	_ =	shalt  }
0x7e: {  	_ =	shalt  }
0x7f: {  	_ =	shalt  }
0x80: {  	_ =	shalt  }
0x81: {  	_ =	shalt  }
0x82: {  	_ =	shalt  }
0x83: {  	_ =	shalt  }
0x84: {  	_ =	shalt  }
0x85: {  	_ =	shalt  }
0x86: {  	_ =	shalt  }
0x87: {  	_ =	shalt  }
.Lfunc_end0:
.L_simem_size_0:
called_computation_lowered:
.L_overlay_start_0:
0x88: {  	s2 =	sld [smem:$0x3FD9]  }
0x89: {  	s3 =	sld [smem:$0x3FFE];
	_ =	sdelay $0x1  }
0x8a: {  	s1 =	srdreg.scid  }
0x8b: {  	s0 =	sand.u32 $0x1, s1  }
0x8c: {  	s17 =	sshll.u32 s0, $0xA;
	s2 =	sadd.s32 s3, s2  }
0x8d: {  	s2 =	sadd.s32 s2, s17  }
0x8e: {  	[smem:$0x3FC6] =	sst s2  }
0x8f: {  	_ = 	snop  }
0x90: {  	s2 =	sld [smem:$0x3FC8]  }
0x91: {  	s18 =	sld [smem:$0x3FD0];
	(tm) =	ssettm $0x1  }
0x92: {  	s4 =	sld [smem:$0x3FFB];
	_ =	sdelay $0x3  }
0x93: {  	_ =	strace s4  }
0x94: {  	s4 =	sld [smem:$0x3FFC];
	_ =	sdelay $0x3  }
0x95: {  	_ =	strace s4  }
0x96: {  	s4 =	sld [smem:$0x3FFD];
	_ =	sdelay $0x3  }
0x97: {  	_ =	strace s4  }
0x98: {  	_ =	strace $0x8FFFFFFF  }
0x99: {  	s19 =	sld [smem:$0x3FDB];
	_ =	sdelay $0x1  }
0x9a: {  	s5 =	simm.s32 $_scs_section_size  }
0x9b: {  	s6 =	simm.s32 $_size__tile_overlayer_lowered;
	s7 =	simm.s32 $_tile_overlayer_lowered  }
0x9c: {  	s22 =	simm.s32 $0x1BFF;
	s21 =	sshll.u32 s7, $0x1;
	s4 =	sadd.s32 s5, s19  }
0x9d: {  	s8 =	simm.s32 $0x0;
	s20 =	sshll.u32 s6, $0x1;
	s6 =	sadd.s32 s21, s4  }
0x9e: {  	[timem:s8], [sflag:s22] =	dma.local [hbm:s6], s20  }
0x9f: {  	_ =	swait.ge [sflag:s22], s20  }
0xa0: {  	s5 =	ssub.s32 $0x0, s20;
	[sflag:s22] =	ssyncset.done $0x0  }
0xa1: {  	[sflag:s22] =	ssyncadd.s32 s5;
	_ =	sdelay $0x1  }
0xa2: {  	s23 =	simm.s32 $0x1B8B  }
0xa3: {  	_ =	swait.ge [sflag:s23], $0x1  }
0xa4: {  	[sflag:s23] =	ssyncset.done $0x0  }
0xa5: {  	s25 =	simm.s32 $0x1B8E;
	s24 =	sld [smem:$0x3FFE];
	[sflag:s23] =	ssyncadd.s32 $0xFFFFFFFF  }
0xa6: {  	s26 =	simm.s32 $execute0_lowered;
	[smem:$0x3FD2] =	sst s25  }
0xa7: {  	s6 =	sshll.u32 s26, $0x1;
	_ =	strace $0x80000046;
	[dreg:$0x1] =	wrdreg $0xFFFFFFFF  }
0xa8: {  	s28 =	simm.s32 $_size_execute0_lowered;
	s4 =	sadd.s32 s4, s6;
	[dreg:$0x0] =	wrdreg $0x0  }
0xa9: {  	s6 =	sshll.u32 s28, $0x1;
	[dreg:$0x2] =	wrdreg s4  }
0xaa: {  	[dreg:$0x3] =	wrdreg s6  }
0xab: {  	[dreg:$0x4] =	wrdreg $0xC0  }
0xac: {  	_ =	task [dreg:s8], $0x5FFFF  }
0xad: {  	[dreg:$0x1] =	wrdreg $0xFFFFFFFF  }
0xae: {  	[dreg:$0x0] =	wrdreg $0x60  }
0xaf: {  	[dreg:$0x2] =	wrdreg s24  }
0xb0: {  	[dreg:$0x3] =	wrdreg s2  }
0xb1: {  	[dreg:$0x4] =	wrdreg s18  }
0xb2: {  	[dreg:$0x5] =	wrdreg $0x9  }
0xb3: {  	_ =	task.clear_ibuf [dreg:s8], $0x6FFFF;
	_ =	strace $0x90000046  }
0xb4: {  	s29 =	simm.s32 $0x9;
	_ =	strace $0x80000048  }
0xb5: {  	_ =	swait.ge [sflag:s29], $0x1  }
0xb6: {  	[sflag:s29] =	ssyncadd.s32 $0xFFFFFFFF  }
0xb7: {  	_ =	strace $0x90000048  }
0xb8: {  	_ =	sfence  }
0xb9: {  	s30 =	sld [smem:$0x0];
	_ =	sdelay $0x2  }
0xba: {  	s31 =	sshll.u32 s1, $0xD;
	s1 =	sshrl.u32 s1, $0x2  }
0xbb: {  	s3 =	sand.u32 $0x4000, s31;
	s1 =	sadd.s32 s1, s30  }
0xbc: {  	s0 =	sor.u32 s3, s0;
	s1 =	sshll.u32 s1, $0x11  }
0xbd: {  	s0 =	sor.u32 s1, s0  }
0xbe: {  	s0 =	sadd.s32 $0x8F2B, s0  }
0xbf: {  	[sflag:s0] =	ssyncadd.remote.s32 $0x1  }
0xc0: {  	_ =	sfence.sel $0xFFFF  }
0xc1: {  	[dreg:$0x0] =	wrdreg $0xFFFFFFFF;
	(pc) =	sbr.abs _section_cstart, $3  }
0xc2: {  	[dreg:$0x1] =	wrdreg $0xFFFFFFFF  }
0xc3: {  	_ =	task.clear_ibuf [dreg:s8], $0x2FFFF;
	_ =	strace $0x9FFFFFFF  }
0xc4: {  	(tm) =	ssettm $0x7FFFFFFF  }
0xc5: {  	_ =	shalt  }
tec
execute0_lowered:
.L_overlay_start_1:
0x0: {  	(tag) =	ssettag $0x1  }
0x1: {  	s0 =	rddreg [dreg:$0x0]  }
0x2: {  	s1 =	rddreg [dreg:$0x1]  }
0x3: {  	s3 =	rddreg [dreg:$0x2];
	s2 =	srdreg.scid;
	s4 =	simm.s32 $0x0  }
0x4: {  	s8 =	stileid.u32;
	s14 =	simm.s32 $0x8800;
	s15 =	simm.s32 $0x9000  }
0x5: {  	s16 =	simm.s32 $0x9800;
	s17 =	simm.s32 $0xA000;
	s18 =	simm.s32 $0xA800  }
0x6: {  	s20 =	simm.s32 $0xB000;
	s21 =	simm.s32 $0xB800;
	s28 =	simm.s32 $0xC800  }
0x7: {  	s29 =	simm.s32 $0xD000;
	s30 =	simm.s32 $0xD800;
	s31 =	simm.s32 $0xE000  }
0x8: {  	s10 =	simm.s32 $0x10000;
	s11 =	simm.s32 $0x10800;
	s12 =	simm.s32 $0x11000  }
0x9: {  	s19 =	simm.s32 $0x3;
	s13 =	simm.s32 $0x0;
	s2 =	sand.u32 $0x1, s2  }
0xa: {  	s5 =	sshll.u32 s8, $0x9;
	[smem:$0x7FF] =	sst s4;
	s26 =	sshll.u32 s8, $0xC  }
0xb: {  	s8 =	simm.s32 $0xF800;
	s6 =	sshll.u32 s2, $0x8;
	s7 =	ssub.s32 $0x2, s2  }
0xc: {  	_ =	strace $0x80000047;
	s2 =	sshll.u32 s2, $0xB;
	s5 =	sor.u32 s6, s5  }
.Ltmp0:
0xd: {  	s23 =	sshrl.u32 s7, $0x1;
	s6 =	sadd.s32 $0x100, s1;
	(pc) =	sbr.rel .LBB2_1-.Ltmp0, $4  }
0xe: {  	v3 =	vlaneseq.u32;
	s9 =	sor.u32 s2, s26;
	s26 =	simm.s32 $0xC000;
	s0 =	sadd.s32 s5, s0  }
0xf: {  	vm0 =	vmmov $0xffff;
	v2 =	vshrl.u32 v3, $0x3;
	v1 =	vmul.u32 $0x2, v3;
	s2 =	simm.s32 $0xE800;
	s24 =	ssub.s32 s7, s23;
	s0 =	sadd.s32 $0x400, s0  }
0x10: {  	v0 =	vand.u32 $0x7, v3;
	v3 =	vor.u32 $0x8, v3;
	v2 =	vmul.u32 $0x8, v2;
	s7 =	sadd.s32 $0x100, s3;
	s25 =	smax.u32 s24, $0x1;
	[dreg:$0x4] =	wrdreg s0  }
0x11: {  	v4 =	vor.u32 $0x20, v1;
	v5 =	vor.u32 $0x40, v1;
	v6 =	vor.u32 $0x60, v1;
	s5 =	simm.s32 $0xF000;
	[dreg:$0x5] =	wrdreg s25;
	s25 =	simm.s32 $0x1800  }
.LBB2_9:
0x12: {  	s0 =	simm.s32 $0x4  }
0x13: {  	_ =	swait.ge [sflag:s0], $0x8000  }
0x14: {  	[sflag:s0] =	ssyncset.done $0x0  }
0x15: {  	[sflag:s0] =	ssyncadd.s32 $0xFFFF8000  }
0x16: {  	_ =	swait.ge [sflag:s0], $0x8000  }
0x17: {  	s13 =	rddreg [dreg:$0x6]  }
0x18: {  	s22 =	rddreg [dreg:$0x5];
	s13 =	sadd.s32 $0x1, s13  }
0x19: {  	p0 =	sne.s32 s13, s22  }
.Ltmp1:
0x1a: {  	_ = 	snop;
	(pc) =	sbr.rel @!p0 .LBB2_10-.Ltmp1, $3  }
0x1b: {  	_ =	sdelay $0x1  }
0x1c: {  	[sflag:s0] =	ssyncset.done $0x0  }
0x1d: {  	[sflag:s0] =	ssyncadd.s32 $0xFFFF8000  }
.LBB2_1:
0x1e: {  	[dreg:$0x6] =	wrdreg s13  }
0x1f: {  	s22 =	rddreg [dreg:$0x4];
	s23 =	simm.s32 $0x5  }
0x20: {  	[tilespmem:s4], [sflag:$0x5] =	stream.linear.gather [hbm4b:s22+s4], $0x800, $0x38;
	[tilespmem:$0x11800] =	vst v63  }
0x21: {  	_ =	swait.ge [sflag:s23], $0x800  }
0x22: {  	[sflag:s23] =	ssyncset.done $0x0  }
0x23: {  	[sflag:s23] =	ssyncadd.s32 $0xFFFFF800  }
0x24: {  	v7 =	vld [tilespmem:$0x0];
	_ =	sdelay $0x4  }
0x25: {  	v8 =	vshll.u32 v7, $0x2  }
0x26: {  	v7 =	vand.u32 $0x7, v7;
	v8 =	vand.u32 $0xFFFFFFE0, v8  }
0x27: {  	v7 =	vor.u32 v7, v8  }
0x28: {  	v8 =	vperm.xlane v7, v0;
	_ =	sdelay $0x1  }
0x29: {  	v8 =	vadd.s32 v2, v8;
	_ =	sdelay $0x1  }
0x2a: {  	v7 =	vperm.xlane v7, v3;
	_ =	sdelay $0x1  }
0x2b: {  	v7 =	vadd.s32 v2, v7  }
0x2c: {  	[tilespmem:s25], [sflag:$0x1] =	stream.indirect_vreg.gather [hbm4b:s1+s4], $0x80, v8, vm0, $0xb8;
	[tilespmem:$0x11800] =	vst v63  }
0x2d: {  	s24 =	simm.s32 $0x2000  }
0x2e: {  	[tilespmem:s24], [sflag:$0x1] =	stream.indirect_vreg.gather [hbm4b:s6+s4], $0x80, v8, vm0, $0xb8;
	[tilespmem:$0x11800] =	vst v63  }
0x2f: {  	s25 =	simm.s32 $0x2800  }
0x30: {  	[tilespmem:s25], [sflag:$0x1] =	stream.indirect_vreg.gather [hbm4b:s1+s4], $0x80, v7, vm0, $0xb8;
	[tilespmem:$0x11800] =	vst v63  }
0x31: {  	s0 =	simm.s32 $0x3000  }
0x32: {  	[tilespmem:s0], [sflag:$0x1] =	stream.indirect_vreg.gather [hbm4b:s6+s4], $0x80, v7, vm0, $0xb8;
	[tilespmem:$0x11800] =	vst v63  }
0x33: {  	v7 =	vld [tilespmem:$0x10];
	_ =	sdelay $0x4  }
0x34: {  	v8 =	vshll.u32 v7, $0x2  }
0x35: {  	v7 =	vand.u32 $0x7, v7;
	v8 =	vand.u32 $0xFFFFFFE0, v8  }
0x36: {  	v7 =	vor.u32 v7, v8  }
0x37: {  	v8 =	vperm.xlane v7, v0;
	_ =	sdelay $0x1  }
0x38: {  	v8 =	vadd.s32 v2, v8;
	_ =	sdelay $0x1  }
0x39: {  	v7 =	vperm.xlane v7, v3;
	_ =	sdelay $0x1  }
0x3a: {  	s13 =	simm.s32 $0x3800;
	v7 =	vadd.s32 v2, v7  }
0x3b: {  	[tilespmem:s13], [sflag:$0x1] =	stream.indirect_vreg.gather [hbm4b:s1+s4], $0x80, v8, vm0, $0xb8;
	[tilespmem:$0x11800] =	vst v63  }
0x3c: {  	s23 =	simm.s32 $0x4000  }
0x3d: {  	[tilespmem:s23], [sflag:$0x1] =	stream.indirect_vreg.gather [hbm4b:s6+s4], $0x80, v8, vm0, $0xb8;
	[tilespmem:$0x11800] =	vst v63  }
0x3e: {  	s0 =	simm.s32 $0x4800  }
0x3f: {  	[tilespmem:s0], [sflag:$0x1] =	stream.indirect_vreg.gather [hbm4b:s1+s4], $0x80, v7, vm0, $0xb8;
	[tilespmem:$0x11800] =	vst v63  }
0x40: {  	s24 =	simm.s32 $0x5000  }
0x41: {  	[tilespmem:s24], [sflag:$0x1] =	stream.indirect_vreg.gather [hbm4b:s6+s4], $0x80, v7, vm0, $0xb8;
	[tilespmem:$0x11800] =	vst v63  }
0x42: {  	v7 =	vld [tilespmem:$0x20];
	_ =	sdelay $0x4  }
0x43: {  	v8 =	vshll.u32 v7, $0x2  }
0x44: {  	v7 =	vand.u32 $0x7, v7;
	v8 =	vand.u32 $0xFFFFFFE0, v8  }
0x45: {  	v7 =	vor.u32 v7, v8  }
0x46: {  	v8 =	vperm.xlane v7, v0;
	_ =	sdelay $0x1  }
0x47: {  	v8 =	vadd.s32 v2, v8;
	_ =	sdelay $0x1  }
0x48: {  	v7 =	vperm.xlane v7, v3;
	_ =	sdelay $0x1  }
0x49: {  	s25 =	simm.s32 $0x5800;
	v7 =	vadd.s32 v2, v7  }
0x4a: {  	[tilespmem:s25], [sflag:$0x1] =	stream.indirect_vreg.gather [hbm4b:s1+s4], $0x80, v8, vm0, $0xb8;
	[tilespmem:$0x11800] =	vst v63  }
0x4b: {  	s13 =	simm.s32 $0x6000  }
0x4c: {  	[tilespmem:s13], [sflag:$0x1] =	stream.indirect_vreg.gather [hbm4b:s6+s4], $0x80, v8, vm0, $0xb8;
	[tilespmem:$0x11800] =	vst v63  }
0x4d: {  	s22 =	simm.s32 $0x6800  }
0x4e: {  	[tilespmem:s22], [sflag:$0x1] =	stream.indirect_vreg.gather [hbm4b:s1+s4], $0x80, v7, vm0, $0xb8;
	[tilespmem:$0x11800] =	vst v63  }
0x4f: {  	s23 =	simm.s32 $0x7000  }
0x50: {  	[tilespmem:s23], [sflag:$0x1] =	stream.indirect_vreg.gather [hbm4b:s6+s4], $0x80, v7, vm0, $0xb8;
	[tilespmem:$0x11800] =	vst v63  }
0x51: {  	v7 =	vld [tilespmem:$0x30];
	_ =	sdelay $0x4  }
0x52: {  	v8 =	vshll.u32 v7, $0x2  }
0x53: {  	v7 =	vand.u32 $0x7, v7;
	v8 =	vand.u32 $0xFFFFFFE0, v8  }
0x54: {  	v7 =	vor.u32 v7, v8  }
0x55: {  	v8 =	vperm.xlane v7, v0;
	_ =	sdelay $0x1  }
0x56: {  	v8 =	vadd.s32 v2, v8;
	_ =	sdelay $0x1  }
0x57: {  	v7 =	vperm.xlane v7, v3;
	_ =	sdelay $0x1  }
0x58: {  	s24 =	simm.s32 $0x7800;
	v7 =	vadd.s32 v2, v7  }
0x59: {  	[tilespmem:s24], [sflag:$0x1] =	stream.indirect_vreg.gather [hbm4b:s1+s4], $0x80, v8, vm0, $0xb8;
	[tilespmem:$0x11800] =	vst v63  }
0x5a: {  	s25 =	simm.s32 $0x8000  }
0x5b: {  	[tilespmem:s25], [sflag:$0x1] =	stream.indirect_vreg.gather [hbm4b:s6+s4], $0x80, v8, vm0, $0xb8;
	[tilespmem:$0x11800] =	vst v63  }
0x5c: {  	_ = 	snop  }
0x5d: {  	[tilespmem:s14], [sflag:$0x1] =	stream.indirect_vreg.gather [hbm4b:s1+s4], $0x80, v7, vm0, $0xb8;
	[tilespmem:$0x11800] =	vst v63  }
0x5e: {  	_ = 	snop  }
0x5f: {  	[tilespmem:s15], [sflag:$0x1] =	stream.indirect_vreg.gather [hbm4b:s6+s4], $0x80, v7, vm0, $0xb8;
	[tilespmem:$0x11800] =	vst v63  }
0x60: {  	v7 =	vld [tilespmem:$0x80];
	_ =	sdelay $0x4  }
0x61: {  	v8 =	vshll.u32 v7, $0x2  }
0x62: {  	v7 =	vand.u32 $0x7, v7;
	v8 =	vand.u32 $0xFFFFFFE0, v8  }
0x63: {  	v7 =	vor.u32 v7, v8  }
0x64: {  	v8 =	vperm.xlane v7, v0;
	_ =	sdelay $0x1  }
0x65: {  	v8 =	vadd.s32 v2, v8;
	_ =	sdelay $0x1  }
0x66: {  	v7 =	vperm.xlane v7, v3;
	_ =	sdelay $0x1  }
0x67: {  	v7 =	vadd.s32 v2, v7  }
0x68: {  	[tilespmem:s16], [sflag:$0x2] =	stream.indirect_vreg.gather [hbm4b:s1+s4], $0x80, v8, vm0, $0xb8;
	[tilespmem:$0x11800] =	vst v63  }
0x69: {  	_ = 	snop  }
0x6a: {  	[tilespmem:s17], [sflag:$0x2] =	stream.indirect_vreg.gather [hbm4b:s6+s4], $0x80, v8, vm0, $0xb8;
	[tilespmem:$0x11800] =	vst v63  }
0x6b: {  	_ = 	snop  }
0x6c: {  	[tilespmem:s18], [sflag:$0x2] =	stream.indirect_vreg.gather [hbm4b:s1+s4], $0x80, v7, vm0, $0xb8;
	[tilespmem:$0x11800] =	vst v63  }
0x6d: {  	_ = 	snop  }
0x6e: {  	[tilespmem:s20], [sflag:$0x2] =	stream.indirect_vreg.gather [hbm4b:s6+s4], $0x80, v7, vm0, $0xb8;
	[tilespmem:$0x11800] =	vst v63  }
0x6f: {  	v7 =	vld [tilespmem:$0x90];
	_ =	sdelay $0x4  }
0x70: {  	v8 =	vshll.u32 v7, $0x2  }
0x71: {  	v7 =	vand.u32 $0x7, v7;
	v8 =	vand.u32 $0xFFFFFFE0, v8  }
0x72: {  	v7 =	vor.u32 v7, v8  }
0x73: {  	v8 =	vperm.xlane v7, v0;
	_ =	sdelay $0x1  }
0x74: {  	v8 =	vadd.s32 v2, v8;
	_ =	sdelay $0x1  }
0x75: {  	v7 =	vperm.xlane v7, v3;
	_ =	sdelay $0x1  }
0x76: {  	v7 =	vadd.s32 v2, v7  }
0x77: {  	[tilespmem:s21], [sflag:$0x2] =	stream.indirect_vreg.gather [hbm4b:s1+s4], $0x80, v8, vm0, $0xb8;
	[tilespmem:$0x11800] =	vst v63  }
0x78: {  	_ = 	snop  }
0x79: {  	[tilespmem:s26], [sflag:$0x2] =	stream.indirect_vreg.gather [hbm4b:s6+s4], $0x80, v8, vm0, $0xb8;
	[tilespmem:$0x11800] =	vst v63  }
0x7a: {  	_ = 	snop  }
0x7b: {  	[tilespmem:s28], [sflag:$0x2] =	stream.indirect_vreg.gather [hbm4b:s1+s4], $0x80, v7, vm0, $0xb8;
	[tilespmem:$0x11800] =	vst v63  }
0x7c: {  	_ = 	snop  }
0x7d: {  	[tilespmem:s29], [sflag:$0x2] =	stream.indirect_vreg.gather [hbm4b:s6+s4], $0x80, v7, vm0, $0xb8;
	[tilespmem:$0x11800] =	vst v63  }
0x7e: {  	v7 =	vld [tilespmem:$0xA0];
	_ =	sdelay $0x4  }
0x7f: {  	v8 =	vshll.u32 v7, $0x2  }
0x80: {  	v7 =	vand.u32 $0x7, v7;
	v8 =	vand.u32 $0xFFFFFFE0, v8  }
0x81: {  	v7 =	vor.u32 v7, v8  }
0x82: {  	v8 =	vperm.xlane v7, v0;
	_ =	sdelay $0x1  }
0x83: {  	v8 =	vadd.s32 v2, v8;
	_ =	sdelay $0x1  }
0x84: {  	v7 =	vperm.xlane v7, v3;
	_ =	sdelay $0x1  }
0x85: {  	v7 =	vadd.s32 v2, v7  }
0x86: {  	[tilespmem:s30], [sflag:$0x2] =	stream.indirect_vreg.gather [hbm4b:s1+s4], $0x80, v8, vm0, $0xb8;
	[tilespmem:$0x11800] =	vst v63  }
0x87: {  	_ = 	snop  }
0x88: {  	[tilespmem:s31], [sflag:$0x2] =	stream.indirect_vreg.gather [hbm4b:s6+s4], $0x80, v8, vm0, $0xb8;
	[tilespmem:$0x11800] =	vst v63  }
0x89: {  	_ = 	snop  }
0x8a: {  	[tilespmem:s2], [sflag:$0x2] =	stream.indirect_vreg.gather [hbm4b:s1+s4], $0x80, v7, vm0, $0xb8;
	[tilespmem:$0x11800] =	vst v63  }
0x8b: {  	_ = 	snop  }
0x8c: {  	[tilespmem:s5], [sflag:$0x2] =	stream.indirect_vreg.gather [hbm4b:s6+s4], $0x80, v7, vm0, $0xb8;
	[tilespmem:$0x11800] =	vst v63  }
0x8d: {  	v7 =	vld [tilespmem:$0xB0];
	_ =	sdelay $0x4  }
0x8e: {  	v8 =	vshll.u32 v7, $0x2  }
0x8f: {  	v7 =	vand.u32 $0x7, v7;
	v8 =	vand.u32 $0xFFFFFFE0, v8  }
0x90: {  	v7 =	vor.u32 v7, v8  }
0x91: {  	v8 =	vperm.xlane v7, v0;
	_ =	sdelay $0x1  }
0x92: {  	v8 =	vadd.s32 v2, v8;
	_ =	sdelay $0x1  }
0x93: {  	v7 =	vperm.xlane v7, v3;
	_ =	sdelay $0x1  }
0x94: {  	v7 =	vadd.s32 v2, v7  }
0x95: {  	[tilespmem:s8], [sflag:$0x2] =	stream.indirect_vreg.gather [hbm4b:s1+s4], $0x80, v8, vm0, $0xb8;
	[tilespmem:$0x11800] =	vst v63  }
0x96: {  	_ = 	snop  }
0x97: {  	[tilespmem:s10], [sflag:$0x2] =	stream.indirect_vreg.gather [hbm4b:s6+s4], $0x80, v8, vm0, $0xb8;
	[tilespmem:$0x11800] =	vst v63  }
0x98: {  	s23 =	sadd.s32 $0x0, s9  }
0x99: {  	[tilespmem:s11], [sflag:$0x2] =	stream.indirect_vreg.gather [hbm4b:s1+s4], $0x80, v7, vm0, $0xb8;
	[tilespmem:$0x11800] =	vst v63  }
0x9a: {  	s22 =	simm.s32 $0x880;
	s24 =	sadd.s32 $0x1, s23  }
0x9b: {  	[tilespmem:s12], [sflag:$0x2] =	stream.indirect_vreg.gather [hbm4b:s6+s4], $0x80, v7, vm0, $0xb8;
	v7 =	vor.u32 s24, v6;
	[tilespmem:$0x11800] =	vst v63  }
0x9c: {  	v8 =	vor.u32 s24, v1;
	[tilespmem:s22+$0x30] =	vst v7  }
0x9d: {  	v9 =	vor.u32 s23, v4;
	[tilespmem:s22+$0x0] =	vst v8  }
0x9e: {  	v7 =	vor.u32 s24, v4;
	[tilespmem:s22+$0xFFFFFF90] =	vst v9  }
0x9f: {  	v8 =	vor.u32 s24, v5;
	[tilespmem:s22+$0x10] =	vst v7  }
0xa0: {  	v7 =	vor.u32 s23, v1;
	[tilespmem:s22+$0x20] =	vst v8  }
0xa1: {  	s24 =	simm.s32 $0x100;
	v8 =	vor.u32 s23, v6;
	[tilespmem:s22+$0xFFFFFF80] =	vst v7;
	v7 =	vor.u32 s23, v5;
	s23 =	sadd.s32 $0x80, s9  }
.LBB2_2:
0xa2: {  	p0 =	sne.s32 s24, $0x780;
	v9 =	vor.u32 s23, v1;
	v10 =	vor.u32 s23, v4;
	s25 =	sadd.s32 $0x1, s23;
	[tilespmem:s22+$0xFFFFFFA0] =	vst v7;
	v7 =	vor.u32 s23, v5  }
0xa3: {  	v11 =	vor.u32 s25, v1;
	v12 =	vor.u32 s25, v4;
	v13 =	vor.u32 s25, v6;
	[tilespmem:s22+$0xFFFFFFB0] =	vst v8;
	s22 =	sadd.s32 $0x100, s22  }
0xa4: {  	v8 =	vor.u32 s23, v6;
	v14 =	vor.u32 s25, v5;
	[tilespmem:s22+$0x30] =	vst v13  }
.Ltmp2:
0xa5: {  	[tilespmem:s22+$0x0] =	vst v11;
	(pc) =	sbr.rel @p0 .LBB2_2-.Ltmp2, $4  }
0xa6: {  	[tilespmem:s22+$0x10] =	vst v12  }
0xa7: {  	[tilespmem:s22+$0x20] =	vst v14  }
0xa8: {  	[tilespmem:s22+$0xFFFFFF80] =	vst v9  }
0xa9: {  	s23 =	sadd.s32 s24, s9;
	s24 =	sadd.s32 $0x80, s24;
	[tilespmem:s22+$0xFFFFFF90] =	vst v10  }
0xaa: {  	s24 =	sadd.s32 $0x1, s23;
	[tilespmem:s22+$0xFFFFFFA0] =	vst v7  }
0xab: {  	[tilespmem:s22+$0xFFFFFFB0] =	vst v8;
	s25 =	sadd.s32 $0x100, s22;
	v7 =	vor.u32 s24, v6  }
0xac: {  	v8 =	vor.u32 s24, v1;
	[tilespmem:s25+$0x30] =	vst v7  }
0xad: {  	v7 =	vor.u32 s24, v4;
	[tilespmem:s25+$0x0] =	vst v8  }
0xae: {  	v8 =	vor.u32 s24, v5;
	[tilespmem:s25+$0x10] =	vst v7  }
.Ltmp3:
0xaf: {  	v7 =	vor.u32 s23, v1;
	[tilespmem:s25+$0x20] =	vst v8;
	(pc) =	sbr.rel .LBB2_4-.Ltmp3, $4  }
0xb0: {  	v8 =	vor.u32 s23, v4;
	[tilespmem:s25+$0xFFFFFF80] =	vst v7  }
0xb1: {  	v7 =	vor.u32 s23, v5;
	[tilespmem:s25+$0xFFFFFF90] =	vst v8  }
0xb2: {  	v8 =	vor.u32 s23, v6;
	[tilespmem:s25+$0xFFFFFFA0] =	vst v7  }
0xb3: {  	s22 =	simm.s32 $0x0;
	s23 =	simm.s32 $0x900;
	[tilespmem:s25+$0xFFFFFFB0] =	vst v8;
	s25 =	simm.s32 $0x1800  }
.LBB2_8:
0xb4: {  	s0 =	simm.s32 $0x2  }
0xb5: {  	_ =	swait.ge [sflag:s0], $0x8000  }
0xb6: {  	[sflag:s0] =	ssyncset.done $0x0  }
0xb7: {  	[sflag:s0] =	ssyncadd.s32 $0xFFFF8000  }
0xb8: {  	v7 =	vld [tilespmem:s23+$0x0];
	_ =	sdelay $0x4  }
0xb9: {  	v8 =	vshll.u32 v7, $0x2  }
0xba: {  	v7 =	vand.u32 $0x7, v7;
	v8 =	vand.u32 $0xFFFFFFE0, v8  }
0xbb: {  	v7 =	vor.u32 v7, v8  }
0xbc: {  	v8 =	vperm.xlane v7, v0;
	_ =	sdelay $0x1  }
0xbd: {  	v8 =	vadd.s32 v2, v8;
	_ =	sdelay $0x1  }
0xbe: {  	v7 =	vperm.xlane v7, v3;
	_ =	sdelay $0x1  }
0xbf: {  	s24 =	simm.s32 $0x9800;
	v7 =	vadd.s32 v2, v7  }
0xc0: {  	[hbm4b:s3+s4] =	stream.indirect_vreg.scatter [tilespmem:s24], [sflag:$0x4], $0x80, v8, vm0, $0xb8;
	[tilespmem:$0x11800] =	vst v63  }
0xc1: {  	s18 =	simm.s32 $0xA000  }
0xc2: {  	[hbm4b:s7+s4] =	stream.indirect_vreg.scatter [tilespmem:s18], [sflag:$0x4], $0x80, v8, vm0, $0xb8;
	[tilespmem:$0x11800] =	vst v63  }
0xc3: {  	s20 =	simm.s32 $0xA800  }
0xc4: {  	[hbm4b:s3+s4] =	stream.indirect_vreg.scatter [tilespmem:s20], [sflag:$0x4], $0x80, v7, vm0, $0xb8;
	[tilespmem:$0x11800] =	vst v63  }
0xc5: {  	s21 =	simm.s32 $0xB000  }
0xc6: {  	[hbm4b:s7+s4] =	stream.indirect_vreg.scatter [tilespmem:s21], [sflag:$0x4], $0x80, v7, vm0, $0xb8;
	[tilespmem:$0x11800] =	vst v63  }
0xc7: {  	v7 =	vld [tilespmem:s23+$0x10];
	_ =	sdelay $0x4  }
0xc8: {  	v8 =	vshll.u32 v7, $0x2  }
0xc9: {  	v7 =	vand.u32 $0x7, v7;
	v8 =	vand.u32 $0xFFFFFFE0, v8  }
0xca: {  	v7 =	vor.u32 v7, v8  }
0xcb: {  	v8 =	vperm.xlane v7, v0;
	_ =	sdelay $0x1  }
0xcc: {  	v8 =	vadd.s32 v2, v8;
	_ =	sdelay $0x1  }
0xcd: {  	v7 =	vperm.xlane v7, v3;
	_ =	sdelay $0x1  }
0xce: {  	s26 =	simm.s32 $0xB800;
	v7 =	vadd.s32 v2, v7  }
0xcf: {  	[hbm4b:s3+s4] =	stream.indirect_vreg.scatter [tilespmem:s26], [sflag:$0x4], $0x80, v8, vm0, $0xb8;
	[tilespmem:$0x11800] =	vst v63  }
0xd0: {  	s28 =	simm.s32 $0xC000  }
0xd1: {  	[hbm4b:s7+s4] =	stream.indirect_vreg.scatter [tilespmem:s28], [sflag:$0x4], $0x80, v8, vm0, $0xb8;
	[tilespmem:$0x11800] =	vst v63  }
0xd2: {  	s29 =	simm.s32 $0xC800  }
0xd3: {  	[hbm4b:s3+s4] =	stream.indirect_vreg.scatter [tilespmem:s29], [sflag:$0x4], $0x80, v7, vm0, $0xb8;
	[tilespmem:$0x11800] =	vst v63  }
0xd4: {  	s30 =	simm.s32 $0xD000  }
0xd5: {  	[hbm4b:s7+s4] =	stream.indirect_vreg.scatter [tilespmem:s30], [sflag:$0x4], $0x80, v7, vm0, $0xb8;
	[tilespmem:$0x11800] =	vst v63  }
0xd6: {  	v7 =	vld [tilespmem:s23+$0x20];
	_ =	sdelay $0x4  }
0xd7: {  	v8 =	vshll.u32 v7, $0x2  }
0xd8: {  	v7 =	vand.u32 $0x7, v7;
	v8 =	vand.u32 $0xFFFFFFE0, v8  }
0xd9: {  	v7 =	vor.u32 v7, v8  }
0xda: {  	v8 =	vperm.xlane v7, v0;
	_ =	sdelay $0x1  }
0xdb: {  	v8 =	vadd.s32 v2, v8;
	_ =	sdelay $0x1  }
0xdc: {  	v7 =	vperm.xlane v7, v3;
	_ =	sdelay $0x1  }
0xdd: {  	s31 =	simm.s32 $0xD800;
	v7 =	vadd.s32 v2, v7  }
0xde: {  	[hbm4b:s3+s4] =	stream.indirect_vreg.scatter [tilespmem:s31], [sflag:$0x4], $0x80, v8, vm0, $0xb8;
	[tilespmem:$0x11800] =	vst v63  }
0xdf: {  	s2 =	simm.s32 $0xE000  }
0xe0: {  	[hbm4b:s7+s4] =	stream.indirect_vreg.scatter [tilespmem:s2], [sflag:$0x4], $0x80, v8, vm0, $0xb8;
	[tilespmem:$0x11800] =	vst v63  }
0xe1: {  	s5 =	simm.s32 $0xE800  }
0xe2: {  	[hbm4b:s3+s4] =	stream.indirect_vreg.scatter [tilespmem:s5], [sflag:$0x4], $0x80, v7, vm0, $0xb8;
	[tilespmem:$0x11800] =	vst v63  }
0xe3: {  	s8 =	simm.s32 $0xF000  }
0xe4: {  	[hbm4b:s7+s4] =	stream.indirect_vreg.scatter [tilespmem:s8], [sflag:$0x4], $0x80, v7, vm0, $0xb8;
	[tilespmem:$0x11800] =	vst v63  }
0xe5: {  	v7 =	vld [tilespmem:s23+$0x30];
	_ =	sdelay $0x4  }
0xe6: {  	v8 =	vshll.u32 v7, $0x2  }
0xe7: {  	v7 =	vand.u32 $0x7, v7;
	v8 =	vand.u32 $0xFFFFFFE0, v8  }
0xe8: {  	v7 =	vor.u32 v7, v8  }
0xe9: {  	v8 =	vperm.xlane v7, v0;
	_ =	sdelay $0x1  }
0xea: {  	v8 =	vadd.s32 v2, v8;
	_ =	sdelay $0x1  }
0xeb: {  	v7 =	vperm.xlane v7, v3;
	_ =	sdelay $0x1  }
0xec: {  	s10 =	simm.s32 $0xF800;
	v7 =	vadd.s32 v2, v7  }
0xed: {  	[hbm4b:s3+s4] =	stream.indirect_vreg.scatter [tilespmem:s10], [sflag:$0x4], $0x80, v8, vm0, $0xb8;
	[tilespmem:$0x11800] =	vst v63  }
0xee: {  	s11 =	simm.s32 $0x10000  }
0xef: {  	[hbm4b:s7+s4] =	stream.indirect_vreg.scatter [tilespmem:s11], [sflag:$0x4], $0x80, v8, vm0, $0xb8;
	[tilespmem:$0x11800] =	vst v63  }
0xf0: {  	s12 =	simm.s32 $0x10800  }
0xf1: {  	[hbm4b:s3+s4] =	stream.indirect_vreg.scatter [tilespmem:s12], [sflag:$0x4], $0x80, v7, vm0, $0xb8;
	[tilespmem:$0x11800] =	vst v63  }
0xf2: {  	s13 =	simm.s32 $0x11000  }
0xf3: {  	[hbm4b:s7+s4] =	stream.indirect_vreg.scatter [tilespmem:s13], [sflag:$0x4], $0x80, v7, vm0, $0xb8;
	[tilespmem:$0x11800] =	vst v63  }
0xf4: {  	v7 =	vld [tilespmem:s23+$0x80];
	_ =	sdelay $0x4  }
0xf5: {  	v8 =	vshll.u32 v7, $0x2  }
0xf6: {  	v7 =	vand.u32 $0x7, v7;
	v8 =	vand.u32 $0xFFFFFFE0, v8  }
0xf7: {  	v7 =	vor.u32 v7, v8  }
0xf8: {  	v8 =	vperm.xlane v7, v0;
	_ =	sdelay $0x1  }
0xf9: {  	v8 =	vadd.s32 v2, v8;
	_ =	sdelay $0x1  }
0xfa: {  	v7 =	vperm.xlane v7, v3;
	_ =	sdelay $0x1  }
0xfb: {  	v7 =	vadd.s32 v2, v7  }
0xfc: {  	[hbm4b:s3+s4] =	stream.indirect_vreg.scatter [tilespmem:s24], [sflag:$0x4], $0x80, v8, vm0, $0xb8;
	[tilespmem:$0x11800] =	vst v63  }
0xfd: {  	_ = 	snop  }
0xfe: {  	[hbm4b:s7+s4] =	stream.indirect_vreg.scatter [tilespmem:s18], [sflag:$0x4], $0x80, v8, vm0, $0xb8;
	[tilespmem:$0x11800] =	vst v63  }
0xff: {  	_ = 	snop  }
0x100: {  	[hbm4b:s3+s4] =	stream.indirect_vreg.scatter [tilespmem:s20], [sflag:$0x4], $0x80, v7, vm0, $0xb8;
	[tilespmem:$0x11800] =	vst v63  }
0x101: {  	_ = 	snop  }
0x102: {  	[hbm4b:s7+s4] =	stream.indirect_vreg.scatter [tilespmem:s21], [sflag:$0x4], $0x80, v7, vm0, $0xb8;
	[tilespmem:$0x11800] =	vst v63  }
0x103: {  	v7 =	vld [tilespmem:s23+$0x90];
	_ =	sdelay $0x4  }
0x104: {  	v8 =	vshll.u32 v7, $0x2  }
0x105: {  	v7 =	vand.u32 $0x7, v7;
	v8 =	vand.u32 $0xFFFFFFE0, v8  }
0x106: {  	v7 =	vor.u32 v7, v8  }
0x107: {  	v8 =	vperm.xlane v7, v0;
	_ =	sdelay $0x1  }
0x108: {  	v8 =	vadd.s32 v2, v8;
	_ =	sdelay $0x1  }
0x109: {  	v7 =	vperm.xlane v7, v3;
	_ =	sdelay $0x1  }
0x10a: {  	v7 =	vadd.s32 v2, v7  }
0x10b: {  	[hbm4b:s3+s4] =	stream.indirect_vreg.scatter [tilespmem:s26], [sflag:$0x4], $0x80, v8, vm0, $0xb8;
	[tilespmem:$0x11800] =	vst v63  }
0x10c: {  	_ = 	snop  }
0x10d: {  	[hbm4b:s7+s4] =	stream.indirect_vreg.scatter [tilespmem:s28], [sflag:$0x4], $0x80, v8, vm0, $0xb8;
	[tilespmem:$0x11800] =	vst v63  }
0x10e: {  	_ = 	snop  }
0x10f: {  	[hbm4b:s3+s4] =	stream.indirect_vreg.scatter [tilespmem:s29], [sflag:$0x4], $0x80, v7, vm0, $0xb8;
	[tilespmem:$0x11800] =	vst v63  }
0x110: {  	_ = 	snop  }
0x111: {  	[hbm4b:s7+s4] =	stream.indirect_vreg.scatter [tilespmem:s30], [sflag:$0x4], $0x80, v7, vm0, $0xb8;
	[tilespmem:$0x11800] =	vst v63  }
0x112: {  	v7 =	vld [tilespmem:s23+$0xA0];
	_ =	sdelay $0x4  }
0x113: {  	v8 =	vshll.u32 v7, $0x2  }
0x114: {  	v7 =	vand.u32 $0x7, v7;
	v8 =	vand.u32 $0xFFFFFFE0, v8  }
0x115: {  	v7 =	vor.u32 v7, v8  }
0x116: {  	v8 =	vperm.xlane v7, v0;
	_ =	sdelay $0x1  }
0x117: {  	v8 =	vadd.s32 v2, v8;
	_ =	sdelay $0x1  }
0x118: {  	v7 =	vperm.xlane v7, v3;
	_ =	sdelay $0x1  }
0x119: {  	v7 =	vadd.s32 v2, v7  }
0x11a: {  	[hbm4b:s3+s4] =	stream.indirect_vreg.scatter [tilespmem:s31], [sflag:$0x4], $0x80, v8, vm0, $0xb8;
	[tilespmem:$0x11800] =	vst v63  }
0x11b: {  	_ = 	snop  }
0x11c: {  	[hbm4b:s7+s4] =	stream.indirect_vreg.scatter [tilespmem:s2], [sflag:$0x4], $0x80, v8, vm0, $0xb8;
	[tilespmem:$0x11800] =	vst v63  }
0x11d: {  	_ = 	snop  }
0x11e: {  	[hbm4b:s3+s4] =	stream.indirect_vreg.scatter [tilespmem:s5], [sflag:$0x4], $0x80, v7, vm0, $0xb8;
	[tilespmem:$0x11800] =	vst v63  }
0x11f: {  	_ = 	snop  }
0x120: {  	[hbm4b:s7+s4] =	stream.indirect_vreg.scatter [tilespmem:s8], [sflag:$0x4], $0x80, v7, vm0, $0xb8;
	[tilespmem:$0x11800] =	vst v63  }
0x121: {  	v7 =	vld [tilespmem:s23+$0xB0];
	_ =	sdelay $0x4  }
0x122: {  	v8 =	vshll.u32 v7, $0x2  }
0x123: {  	v7 =	vand.u32 $0x7, v7;
	v8 =	vand.u32 $0xFFFFFFE0, v8  }
0x124: {  	v7 =	vor.u32 v7, v8  }
0x125: {  	v8 =	vperm.xlane v7, v0;
	_ =	sdelay $0x1  }
0x126: {  	v8 =	vadd.s32 v2, v8;
	_ =	sdelay $0x1  }
0x127: {  	s16 =	simm.s32 $0x9800;
	s22 =	sadd.s32 $0x400, s22  }
0x128: {  	s17 =	simm.s32 $0xA000;
	p0 =	sne.s32 s22, $0x2000;
	s18 =	simm.s32 $0xA800;
	v7 =	vperm.xlane v7, v3  }
0x129: {  	s20 =	simm.s32 $0xB000;
	s21 =	simm.s32 $0xB800;
	s26 =	simm.s32 $0xC000  }
0x12a: {  	v7 =	vadd.s32 v2, v7;
	[hbm4b:s3+s4] =	stream.indirect_vreg.scatter [tilespmem:s10], [sflag:$0x4], $0x80, v8, vm0, $0xb8;
	[tilespmem:$0x11800] =	vst v63  }
0x12b: {  	s28 =	simm.s32 $0xC800;
	s29 =	simm.s32 $0xD000;
	s30 =	simm.s32 $0xD800  }
0x12c: {  	[hbm4b:s7+s4] =	stream.indirect_vreg.scatter [tilespmem:s11], [sflag:$0x4], $0x80, v8, vm0, $0xb8;
	[tilespmem:$0x11800] =	vst v63  }
.Ltmp4:
0x12d: {  	s31 =	simm.s32 $0xE000;
	s2 =	simm.s32 $0xE800;
	(pc) =	sbr.rel @!p0 .LBB2_9-.Ltmp4, $4  }
0x12e: {  	s5 =	simm.s32 $0xF000;
	s8 =	simm.s32 $0xF800;
	s23 =	sadd.s32 $0x200, s23  }
0x12f: {  	[hbm4b:s3+s4] =	stream.indirect_vreg.scatter [tilespmem:s12], [sflag:$0x4], $0x80, v7, vm0, $0xb8;
	[tilespmem:$0x11800] =	vst v63  }
0x130: {  	s10 =	simm.s32 $0x10000;
	s11 =	simm.s32 $0x10800;
	s12 =	simm.s32 $0x11000  }
0x131: {  	[hbm4b:s7+s4] =	stream.indirect_vreg.scatter [tilespmem:s13], [sflag:$0x4], $0x80, v7, vm0, $0xb8;
	[tilespmem:$0x11800] =	vst v63  }
.LBB2_4:
0x132: {  	p0 =	seq.s32 s22, $0x0  }
.Ltmp5:
0x133: {  	_ = 	snop;
	(pc) =	sbr.rel @p0 .LBB2_6-.Ltmp5, $1  }
0x134: {  	_ =	sdelay $0x3  }
0x135: {  	s0 =	simm.s32 $0x4  }
0x136: {  	_ =	swait.ge [sflag:s0], $0x8000  }
0x137: {  	[sflag:s0] =	ssyncset.done $0x0  }
0x138: {  	[sflag:s0] =	ssyncadd.s32 $0xFFFF8000  }
0x139: {  	_ =	swait.ge [sflag:s0], $0x8000  }
0x13a: {  	[sflag:s0] =	ssyncset.done $0x0  }
0x13b: {  	s24 =	sshra.s32 s22, $0x2;
	[sflag:s0] =	ssyncadd.s32 $0xFFFF8000  }
0x13c: {  	v7 =	vld [tilespmem:s24+$0x80];
	_ =	sdelay $0x4  }
0x13d: {  	v8 =	vshll.u32 v7, $0x2  }
0x13e: {  	v7 =	vand.u32 $0x7, v7;
	v8 =	vand.u32 $0xFFFFFFE0, v8  }
0x13f: {  	v7 =	vor.u32 v7, v8  }
0x140: {  	v8 =	vperm.xlane v7, v0;
	_ =	sdelay $0x1  }
0x141: {  	v8 =	vadd.s32 v2, v8;
	_ =	sdelay $0x1  }
0x142: {  	v7 =	vperm.xlane v7, v3;
	_ =	sdelay $0x1  }
0x143: {  	v7 =	vadd.s32 v2, v7  }
0x144: {  	[tilespmem:s16], [sflag:$0x2] =	stream.indirect_vreg.gather [hbm4b:s1+s4], $0x80, v8, vm0, $0xb8;
	[tilespmem:$0x11800] =	vst v63  }
0x145: {  	_ = 	snop  }
0x146: {  	[tilespmem:s17], [sflag:$0x2] =	stream.indirect_vreg.gather [hbm4b:s6+s4], $0x80, v8, vm0, $0xb8;
	[tilespmem:$0x11800] =	vst v63  }
0x147: {  	_ = 	snop  }
0x148: {  	[tilespmem:s18], [sflag:$0x2] =	stream.indirect_vreg.gather [hbm4b:s1+s4], $0x80, v7, vm0, $0xb8;
	[tilespmem:$0x11800] =	vst v63  }
0x149: {  	_ = 	snop  }
0x14a: {  	[tilespmem:s20], [sflag:$0x2] =	stream.indirect_vreg.gather [hbm4b:s6+s4], $0x80, v7, vm0, $0xb8;
	[tilespmem:$0x11800] =	vst v63  }
0x14b: {  	v7 =	vld [tilespmem:s24+$0x90];
	_ =	sdelay $0x4  }
0x14c: {  	v8 =	vshll.u32 v7, $0x2  }
0x14d: {  	v7 =	vand.u32 $0x7, v7;
	v8 =	vand.u32 $0xFFFFFFE0, v8  }
0x14e: {  	v7 =	vor.u32 v7, v8  }
0x14f: {  	v8 =	vperm.xlane v7, v0;
	_ =	sdelay $0x1  }
0x150: {  	v8 =	vadd.s32 v2, v8;
	_ =	sdelay $0x1  }
0x151: {  	v7 =	vperm.xlane v7, v3;
	_ =	sdelay $0x1  }
0x152: {  	v7 =	vadd.s32 v2, v7  }
0x153: {  	[tilespmem:s21], [sflag:$0x2] =	stream.indirect_vreg.gather [hbm4b:s1+s4], $0x80, v8, vm0, $0xb8;
	[tilespmem:$0x11800] =	vst v63  }
0x154: {  	_ = 	snop  }
0x155: {  	[tilespmem:s26], [sflag:$0x2] =	stream.indirect_vreg.gather [hbm4b:s6+s4], $0x80, v8, vm0, $0xb8;
	[tilespmem:$0x11800] =	vst v63  }
0x156: {  	_ = 	snop  }
0x157: {  	[tilespmem:s28], [sflag:$0x2] =	stream.indirect_vreg.gather [hbm4b:s1+s4], $0x80, v7, vm0, $0xb8;
	[tilespmem:$0x11800] =	vst v63  }
0x158: {  	_ = 	snop  }
0x159: {  	[tilespmem:s29], [sflag:$0x2] =	stream.indirect_vreg.gather [hbm4b:s6+s4], $0x80, v7, vm0, $0xb8;
	[tilespmem:$0x11800] =	vst v63  }
0x15a: {  	v7 =	vld [tilespmem:s24+$0xA0];
	_ =	sdelay $0x4  }
0x15b: {  	v8 =	vshll.u32 v7, $0x2  }
0x15c: {  	v7 =	vand.u32 $0x7, v7;
	v8 =	vand.u32 $0xFFFFFFE0, v8  }
0x15d: {  	v7 =	vor.u32 v7, v8  }
0x15e: {  	v8 =	vperm.xlane v7, v0;
	_ =	sdelay $0x1  }
0x15f: {  	v8 =	vadd.s32 v2, v8;
	_ =	sdelay $0x1  }
0x160: {  	v7 =	vperm.xlane v7, v3;
	_ =	sdelay $0x1  }
0x161: {  	v7 =	vadd.s32 v2, v7  }
0x162: {  	[tilespmem:s30], [sflag:$0x2] =	stream.indirect_vreg.gather [hbm4b:s1+s4], $0x80, v8, vm0, $0xb8;
	[tilespmem:$0x11800] =	vst v63  }
0x163: {  	_ = 	snop  }
0x164: {  	[tilespmem:s31], [sflag:$0x2] =	stream.indirect_vreg.gather [hbm4b:s6+s4], $0x80, v8, vm0, $0xb8;
	[tilespmem:$0x11800] =	vst v63  }
0x165: {  	_ = 	snop  }
0x166: {  	[tilespmem:s2], [sflag:$0x2] =	stream.indirect_vreg.gather [hbm4b:s1+s4], $0x80, v7, vm0, $0xb8;
	[tilespmem:$0x11800] =	vst v63  }
0x167: {  	_ = 	snop  }
0x168: {  	[tilespmem:s5], [sflag:$0x2] =	stream.indirect_vreg.gather [hbm4b:s6+s4], $0x80, v7, vm0, $0xb8;
	[tilespmem:$0x11800] =	vst v63  }
0x169: {  	v7 =	vld [tilespmem:s24+$0xB0];
	_ =	sdelay $0x4  }
0x16a: {  	v8 =	vshll.u32 v7, $0x2  }
0x16b: {  	v7 =	vand.u32 $0x7, v7;
	v8 =	vand.u32 $0xFFFFFFE0, v8  }
0x16c: {  	v7 =	vor.u32 v7, v8  }
0x16d: {  	v8 =	vperm.xlane v7, v0;
	_ =	sdelay $0x1  }
0x16e: {  	v8 =	vadd.s32 v2, v8;
	_ =	sdelay $0x1  }
0x16f: {  	v7 =	vperm.xlane v7, v3;
	_ =	sdelay $0x1  }
0x170: {  	v7 =	vadd.s32 v2, v7  }
0x171: {  	[tilespmem:s8], [sflag:$0x2] =	stream.indirect_vreg.gather [hbm4b:s1+s4], $0x80, v8, vm0, $0xb8;
	[tilespmem:$0x11800] =	vst v63  }
0x172: {  	_ = 	snop  }
0x173: {  	[tilespmem:s10], [sflag:$0x2] =	stream.indirect_vreg.gather [hbm4b:s6+s4], $0x80, v8, vm0, $0xb8;
	[tilespmem:$0x11800] =	vst v63  }
0x174: {  	_ = 	snop  }
0x175: {  	[tilespmem:s11], [sflag:$0x2] =	stream.indirect_vreg.gather [hbm4b:s1+s4], $0x80, v7, vm0, $0xb8;
	[tilespmem:$0x11800] =	vst v63  }
0x176: {  	_ = 	snop  }
0x177: {  	[tilespmem:s12], [sflag:$0x2] =	stream.indirect_vreg.gather [hbm4b:s6+s4], $0x80, v7, vm0, $0xb8;
	[tilespmem:$0x11800] =	vst v63  }
.LBB2_6:
0x178: {  	s0 =	simm.s32 $0x1  }
0x179: {  	_ =	swait.ge [sflag:s0], $0x8000  }
0x17a: {  	[sflag:s0] =	ssyncset.done $0x0  }
0x17b: {  	[sflag:s0] =	ssyncadd.s32 $0xFFFF8000  }
0x17c: {  	v7 =	vld [tilespmem:s23+$0xFFFFFF00];
	_ =	sdelay $0x4  }
0x17d: {  	v8 =	vshll.u32 v7, $0x2  }
0x17e: {  	v7 =	vand.u32 $0x7, v7;
	v8 =	vand.u32 $0xFFFFFFE0, v8  }
0x17f: {  	v7 =	vor.u32 v7, v8  }
0x180: {  	v8 =	vperm.xlane v7, v0;
	_ =	sdelay $0x1  }
0x181: {  	v8 =	vadd.s32 v2, v8;
	_ =	sdelay $0x1  }
0x182: {  	v7 =	vperm.xlane v7, v3;
	_ =	sdelay $0x1  }
0x183: {  	v7 =	vadd.s32 v2, v7  }
0x184: {  	[hbm4b:s3+s4] =	stream.indirect_vreg.scatter [tilespmem:s25], [sflag:$0x3], $0x80, v8, vm0, $0xb8;
	[tilespmem:$0x11800] =	vst v63  }
0x185: {  	s24 =	simm.s32 $0x2000  }
0x186: {  	[hbm4b:s7+s4] =	stream.indirect_vreg.scatter [tilespmem:s24], [sflag:$0x3], $0x80, v8, vm0, $0xb8;
	[tilespmem:$0x11800] =	vst v63  }
0x187: {  	s29 =	simm.s32 $0x2800  }
0x188: {  	[hbm4b:s3+s4] =	stream.indirect_vreg.scatter [tilespmem:s29], [sflag:$0x3], $0x80, v7, vm0, $0xb8;
	[tilespmem:$0x11800] =	vst v63  }
0x189: {  	s30 =	simm.s32 $0x3000  }
0x18a: {  	[hbm4b:s7+s4] =	stream.indirect_vreg.scatter [tilespmem:s30], [sflag:$0x3], $0x80, v7, vm0, $0xb8;
	[tilespmem:$0x11800] =	vst v63  }
0x18b: {  	v7 =	vld [tilespmem:s23+$0xFFFFFF10];
	_ =	sdelay $0x4  }
0x18c: {  	v8 =	vshll.u32 v7, $0x2  }
0x18d: {  	v7 =	vand.u32 $0x7, v7;
	v8 =	vand.u32 $0xFFFFFFE0, v8  }
0x18e: {  	v7 =	vor.u32 v7, v8  }
0x18f: {  	v8 =	vperm.xlane v7, v0;
	_ =	sdelay $0x1  }
0x190: {  	v8 =	vadd.s32 v2, v8;
	_ =	sdelay $0x1  }
0x191: {  	v7 =	vperm.xlane v7, v3;
	_ =	sdelay $0x1  }
0x192: {  	s31 =	simm.s32 $0x3800;
	v7 =	vadd.s32 v2, v7  }
0x193: {  	[hbm4b:s3+s4] =	stream.indirect_vreg.scatter [tilespmem:s31], [sflag:$0x3], $0x80, v8, vm0, $0xb8;
	[tilespmem:$0x11800] =	vst v63  }
0x194: {  	s28 =	simm.s32 $0x4000  }
0x195: {  	[hbm4b:s7+s4] =	stream.indirect_vreg.scatter [tilespmem:s28], [sflag:$0x3], $0x80, v8, vm0, $0xb8;
	[tilespmem:$0x11800] =	vst v63  }
0x196: {  	s2 =	simm.s32 $0x4800  }
0x197: {  	[hbm4b:s3+s4] =	stream.indirect_vreg.scatter [tilespmem:s2], [sflag:$0x3], $0x80, v7, vm0, $0xb8;
	[tilespmem:$0x11800] =	vst v63  }
0x198: {  	s5 =	simm.s32 $0x5000  }
0x199: {  	[hbm4b:s7+s4] =	stream.indirect_vreg.scatter [tilespmem:s5], [sflag:$0x3], $0x80, v7, vm0, $0xb8;
	[tilespmem:$0x11800] =	vst v63  }
0x19a: {  	v7 =	vld [tilespmem:s23+$0xFFFFFF20];
	_ =	sdelay $0x4  }
0x19b: {  	v8 =	vshll.u32 v7, $0x2  }
0x19c: {  	v7 =	vand.u32 $0x7, v7;
	v8 =	vand.u32 $0xFFFFFFE0, v8  }
0x19d: {  	v7 =	vor.u32 v7, v8  }
0x19e: {  	v8 =	vperm.xlane v7, v0;
	_ =	sdelay $0x1  }
0x19f: {  	v8 =	vadd.s32 v2, v8;
	_ =	sdelay $0x1  }
0x1a0: {  	v7 =	vperm.xlane v7, v3;
	_ =	sdelay $0x1  }
0x1a1: {  	s8 =	simm.s32 $0x5800;
	v7 =	vadd.s32 v2, v7  }
0x1a2: {  	[hbm4b:s3+s4] =	stream.indirect_vreg.scatter [tilespmem:s8], [sflag:$0x3], $0x80, v8, vm0, $0xb8;
	[tilespmem:$0x11800] =	vst v63  }
0x1a3: {  	s10 =	simm.s32 $0x6000  }
0x1a4: {  	[hbm4b:s7+s4] =	stream.indirect_vreg.scatter [tilespmem:s10], [sflag:$0x3], $0x80, v8, vm0, $0xb8;
	[tilespmem:$0x11800] =	vst v63  }
0x1a5: {  	s11 =	simm.s32 $0x6800  }
0x1a6: {  	[hbm4b:s3+s4] =	stream.indirect_vreg.scatter [tilespmem:s11], [sflag:$0x3], $0x80, v7, vm0, $0xb8;
	[tilespmem:$0x11800] =	vst v63  }
0x1a7: {  	s12 =	simm.s32 $0x7000  }
0x1a8: {  	[hbm4b:s7+s4] =	stream.indirect_vreg.scatter [tilespmem:s12], [sflag:$0x3], $0x80, v7, vm0, $0xb8;
	[tilespmem:$0x11800] =	vst v63  }
0x1a9: {  	v7 =	vld [tilespmem:s23+$0xFFFFFF30];
	_ =	sdelay $0x4  }
0x1aa: {  	v8 =	vshll.u32 v7, $0x2  }
0x1ab: {  	v7 =	vand.u32 $0x7, v7;
	v8 =	vand.u32 $0xFFFFFFE0, v8  }
0x1ac: {  	v7 =	vor.u32 v7, v8  }
0x1ad: {  	v8 =	vperm.xlane v7, v0;
	_ =	sdelay $0x1  }
0x1ae: {  	v8 =	vadd.s32 v2, v8;
	_ =	sdelay $0x1  }
0x1af: {  	v7 =	vperm.xlane v7, v3;
	_ =	sdelay $0x1  }
0x1b0: {  	s13 =	simm.s32 $0x7800;
	v7 =	vadd.s32 v2, v7  }
0x1b1: {  	[hbm4b:s3+s4] =	stream.indirect_vreg.scatter [tilespmem:s13], [sflag:$0x3], $0x80, v8, vm0, $0xb8;
	[tilespmem:$0x11800] =	vst v63  }
0x1b2: {  	s14 =	simm.s32 $0x8000  }
0x1b3: {  	[hbm4b:s7+s4] =	stream.indirect_vreg.scatter [tilespmem:s14], [sflag:$0x3], $0x80, v8, vm0, $0xb8;
	[tilespmem:$0x11800] =	vst v63  }
0x1b4: {  	s15 =	simm.s32 $0x8800  }
0x1b5: {  	[hbm4b:s3+s4] =	stream.indirect_vreg.scatter [tilespmem:s15], [sflag:$0x3], $0x80, v7, vm0, $0xb8;
	[tilespmem:$0x11800] =	vst v63  }
0x1b6: {  	s16 =	simm.s32 $0x9000  }
0x1b7: {  	[hbm4b:s7+s4] =	stream.indirect_vreg.scatter [tilespmem:s16], [sflag:$0x3], $0x80, v7, vm0, $0xb8;
	[tilespmem:$0x11800] =	vst v63  }
0x1b8: {  	v7 =	vld [tilespmem:s23+$0xFFFFFF80];
	_ =	sdelay $0x4  }
0x1b9: {  	v8 =	vshll.u32 v7, $0x2  }
0x1ba: {  	v7 =	vand.u32 $0x7, v7;
	v8 =	vand.u32 $0xFFFFFFE0, v8  }
0x1bb: {  	v7 =	vor.u32 v7, v8  }
0x1bc: {  	v8 =	vperm.xlane v7, v0;
	_ =	sdelay $0x1  }
0x1bd: {  	v8 =	vadd.s32 v2, v8;
	_ =	sdelay $0x1  }
0x1be: {  	v7 =	vperm.xlane v7, v3;
	_ =	sdelay $0x1  }
0x1bf: {  	v7 =	vadd.s32 v2, v7  }
0x1c0: {  	[hbm4b:s3+s4] =	stream.indirect_vreg.scatter [tilespmem:s25], [sflag:$0x3], $0x80, v8, vm0, $0xb8;
	[tilespmem:$0x11800] =	vst v63  }
0x1c1: {  	_ = 	snop  }
0x1c2: {  	[hbm4b:s7+s4] =	stream.indirect_vreg.scatter [tilespmem:s24], [sflag:$0x3], $0x80, v8, vm0, $0xb8;
	[tilespmem:$0x11800] =	vst v63  }
0x1c3: {  	_ = 	snop  }
0x1c4: {  	[hbm4b:s3+s4] =	stream.indirect_vreg.scatter [tilespmem:s29], [sflag:$0x3], $0x80, v7, vm0, $0xb8;
	[tilespmem:$0x11800] =	vst v63  }
0x1c5: {  	_ = 	snop  }
0x1c6: {  	[hbm4b:s7+s4] =	stream.indirect_vreg.scatter [tilespmem:s30], [sflag:$0x3], $0x80, v7, vm0, $0xb8;
	[tilespmem:$0x11800] =	vst v63  }
0x1c7: {  	v7 =	vld [tilespmem:s23+$0xFFFFFF90];
	_ =	sdelay $0x4  }
0x1c8: {  	v8 =	vshll.u32 v7, $0x2  }
0x1c9: {  	v7 =	vand.u32 $0x7, v7;
	v8 =	vand.u32 $0xFFFFFFE0, v8  }
0x1ca: {  	v7 =	vor.u32 v7, v8  }
0x1cb: {  	v8 =	vperm.xlane v7, v0;
	_ =	sdelay $0x1  }
0x1cc: {  	v8 =	vadd.s32 v2, v8;
	_ =	sdelay $0x1  }
0x1cd: {  	v7 =	vperm.xlane v7, v3;
	_ =	sdelay $0x1  }
0x1ce: {  	v7 =	vadd.s32 v2, v7  }
0x1cf: {  	[hbm4b:s3+s4] =	stream.indirect_vreg.scatter [tilespmem:s31], [sflag:$0x3], $0x80, v8, vm0, $0xb8;
	[tilespmem:$0x11800] =	vst v63  }
0x1d0: {  	_ = 	snop  }
0x1d1: {  	[hbm4b:s7+s4] =	stream.indirect_vreg.scatter [tilespmem:s28], [sflag:$0x3], $0x80, v8, vm0, $0xb8;
	[tilespmem:$0x11800] =	vst v63  }
0x1d2: {  	_ = 	snop  }
0x1d3: {  	[hbm4b:s3+s4] =	stream.indirect_vreg.scatter [tilespmem:s2], [sflag:$0x3], $0x80, v7, vm0, $0xb8;
	[tilespmem:$0x11800] =	vst v63  }
0x1d4: {  	_ = 	snop  }
0x1d5: {  	[hbm4b:s7+s4] =	stream.indirect_vreg.scatter [tilespmem:s5], [sflag:$0x3], $0x80, v7, vm0, $0xb8;
	[tilespmem:$0x11800] =	vst v63  }
0x1d6: {  	v7 =	vld [tilespmem:s23+$0xFFFFFFA0];
	_ =	sdelay $0x4  }
0x1d7: {  	v8 =	vshll.u32 v7, $0x2  }
0x1d8: {  	v7 =	vand.u32 $0x7, v7;
	v8 =	vand.u32 $0xFFFFFFE0, v8  }
0x1d9: {  	v7 =	vor.u32 v7, v8  }
0x1da: {  	v8 =	vperm.xlane v7, v0;
	_ =	sdelay $0x1  }
0x1db: {  	v8 =	vadd.s32 v2, v8;
	_ =	sdelay $0x1  }
0x1dc: {  	v7 =	vperm.xlane v7, v3;
	_ =	sdelay $0x1  }
0x1dd: {  	v7 =	vadd.s32 v2, v7  }
0x1de: {  	[hbm4b:s3+s4] =	stream.indirect_vreg.scatter [tilespmem:s8], [sflag:$0x3], $0x80, v8, vm0, $0xb8;
	[tilespmem:$0x11800] =	vst v63  }
0x1df: {  	_ = 	snop  }
0x1e0: {  	[hbm4b:s7+s4] =	stream.indirect_vreg.scatter [tilespmem:s10], [sflag:$0x3], $0x80, v8, vm0, $0xb8;
	[tilespmem:$0x11800] =	vst v63  }
0x1e1: {  	_ = 	snop  }
0x1e2: {  	[hbm4b:s3+s4] =	stream.indirect_vreg.scatter [tilespmem:s11], [sflag:$0x3], $0x80, v7, vm0, $0xb8;
	[tilespmem:$0x11800] =	vst v63  }
0x1e3: {  	_ = 	snop  }
0x1e4: {  	[hbm4b:s7+s4] =	stream.indirect_vreg.scatter [tilespmem:s12], [sflag:$0x3], $0x80, v7, vm0, $0xb8;
	[tilespmem:$0x11800] =	vst v63  }
0x1e5: {  	v7 =	vld [tilespmem:s23+$0xFFFFFFB0];
	_ =	sdelay $0x4  }
0x1e6: {  	v8 =	vshll.u32 v7, $0x2  }
0x1e7: {  	v7 =	vand.u32 $0x7, v7;
	v8 =	vand.u32 $0xFFFFFFE0, v8  }
0x1e8: {  	v7 =	vor.u32 v7, v8  }
0x1e9: {  	v8 =	vperm.xlane v7, v0;
	_ =	sdelay $0x1  }
0x1ea: {  	v8 =	vadd.s32 v2, v8;
	_ =	sdelay $0x1  }
0x1eb: {  	v7 =	vperm.xlane v7, v3;
	_ =	sdelay $0x1  }
0x1ec: {  	v7 =	vadd.s32 v2, v7  }
0x1ed: {  	[hbm4b:s3+s4] =	stream.indirect_vreg.scatter [tilespmem:s13], [sflag:$0x3], $0x80, v8, vm0, $0xb8;
	[tilespmem:$0x11800] =	vst v63  }
0x1ee: {  	_ = 	snop  }
0x1ef: {  	[hbm4b:s7+s4] =	stream.indirect_vreg.scatter [tilespmem:s14], [sflag:$0x3], $0x80, v8, vm0, $0xb8;
	[tilespmem:$0x11800] =	vst v63  }
0x1f0: {  	_ = 	snop  }
0x1f1: {  	[hbm4b:s3+s4] =	stream.indirect_vreg.scatter [tilespmem:s15], [sflag:$0x3], $0x80, v7, vm0, $0xb8;
	[tilespmem:$0x11800] =	vst v63  }
0x1f2: {  	_ = 	snop  }
0x1f3: {  	[hbm4b:s7+s4] =	stream.indirect_vreg.scatter [tilespmem:s16], [sflag:$0x3], $0x80, v7, vm0, $0xb8;
	[tilespmem:$0x11800] =	vst v63  }
0x1f4: {  	p0 =	seq.s32 s22, $0x1C00;
	_ =	swait.ge [sflag:s19], $0x8000  }
.Ltmp6:
0x1f5: {  	[sflag:s19] =	ssyncset.done $0x0;
	(pc) =	sbr.rel @p0 .LBB2_8-.Ltmp6, $4  }
0x1f6: {  	[sflag:s19] =	ssyncadd.s32 $0xFFFF8000  }
0x1f7: {  	_ =	swait.ge [sflag:s19], $0x8000  }
0x1f8: {  	[sflag:s19] =	ssyncset.done $0x0  }
0x1f9: {  	s14 =	simm.s32 $0x8800;
	s15 =	simm.s32 $0x9000;
	[sflag:s19] =	ssyncadd.s32 $0xFFFF8000  }
0x1fa: {  	s24 =	sshra.s32 s22, $0x2  }
0x1fb: {  	v7 =	vld [tilespmem:s24+$0x100];
	_ =	sdelay $0x4  }
0x1fc: {  	v8 =	vshll.u32 v7, $0x2  }
0x1fd: {  	v7 =	vand.u32 $0x7, v7;
	v8 =	vand.u32 $0xFFFFFFE0, v8  }
0x1fe: {  	v7 =	vor.u32 v7, v8  }
0x1ff: {  	v8 =	vperm.xlane v7, v0;
	_ =	sdelay $0x1  }
0x200: {  	v8 =	vadd.s32 v2, v8;
	_ =	sdelay $0x1  }
0x201: {  	v7 =	vperm.xlane v7, v3;
	_ =	sdelay $0x1  }
0x202: {  	v7 =	vadd.s32 v2, v7  }
0x203: {  	[tilespmem:s25], [sflag:$0x1] =	stream.indirect_vreg.gather [hbm4b:s1+s4], $0x80, v8, vm0, $0xb8;
	[tilespmem:$0x11800] =	vst v63  }
0x204: {  	s16 =	simm.s32 $0x2000  }
0x205: {  	[tilespmem:s16], [sflag:$0x1] =	stream.indirect_vreg.gather [hbm4b:s6+s4], $0x80, v8, vm0, $0xb8;
	[tilespmem:$0x11800] =	vst v63  }
0x206: {  	s12 =	simm.s32 $0x2800  }
0x207: {  	[tilespmem:s12], [sflag:$0x1] =	stream.indirect_vreg.gather [hbm4b:s1+s4], $0x80, v7, vm0, $0xb8;
	[tilespmem:$0x11800] =	vst v63  }
0x208: {  	s13 =	simm.s32 $0x3000  }
0x209: {  	[tilespmem:s13], [sflag:$0x1] =	stream.indirect_vreg.gather [hbm4b:s6+s4], $0x80, v7, vm0, $0xb8;
	[tilespmem:$0x11800] =	vst v63  }
0x20a: {  	v7 =	vld [tilespmem:s24+$0x110];
	_ =	sdelay $0x4  }
0x20b: {  	v8 =	vshll.u32 v7, $0x2  }
0x20c: {  	v7 =	vand.u32 $0x7, v7;
	v8 =	vand.u32 $0xFFFFFFE0, v8  }
0x20d: {  	v7 =	vor.u32 v7, v8  }
0x20e: {  	v8 =	vperm.xlane v7, v0;
	_ =	sdelay $0x1  }
0x20f: {  	v8 =	vadd.s32 v2, v8;
	_ =	sdelay $0x1  }
0x210: {  	v7 =	vperm.xlane v7, v3;
	_ =	sdelay $0x1  }
0x211: {  	s17 =	simm.s32 $0x3800;
	v7 =	vadd.s32 v2, v7  }
0x212: {  	[tilespmem:s17], [sflag:$0x1] =	stream.indirect_vreg.gather [hbm4b:s1+s4], $0x80, v8, vm0, $0xb8;
	[tilespmem:$0x11800] =	vst v63  }
0x213: {  	s18 =	simm.s32 $0x4000  }
0x214: {  	[tilespmem:s18], [sflag:$0x1] =	stream.indirect_vreg.gather [hbm4b:s6+s4], $0x80, v8, vm0, $0xb8;
	[tilespmem:$0x11800] =	vst v63  }
0x215: {  	s0 =	simm.s32 $0x4800  }
0x216: {  	[tilespmem:s0], [sflag:$0x1] =	stream.indirect_vreg.gather [hbm4b:s1+s4], $0x80, v7, vm0, $0xb8;
	[tilespmem:$0x11800] =	vst v63  }
0x217: {  	s20 =	simm.s32 $0x5000  }
0x218: {  	[tilespmem:s20], [sflag:$0x1] =	stream.indirect_vreg.gather [hbm4b:s6+s4], $0x80, v7, vm0, $0xb8;
	[tilespmem:$0x11800] =	vst v63  }
0x219: {  	v7 =	vld [tilespmem:s24+$0x120];
	_ =	sdelay $0x4  }
0x21a: {  	v8 =	vshll.u32 v7, $0x2  }
0x21b: {  	v7 =	vand.u32 $0x7, v7;
	v8 =	vand.u32 $0xFFFFFFE0, v8  }
0x21c: {  	v7 =	vor.u32 v7, v8  }
0x21d: {  	v8 =	vperm.xlane v7, v0;
	_ =	sdelay $0x1  }
0x21e: {  	v8 =	vadd.s32 v2, v8;
	_ =	sdelay $0x1  }
0x21f: {  	v7 =	vperm.xlane v7, v3;
	_ =	sdelay $0x1  }
0x220: {  	s21 =	simm.s32 $0x5800;
	v7 =	vadd.s32 v2, v7  }
0x221: {  	[tilespmem:s21], [sflag:$0x1] =	stream.indirect_vreg.gather [hbm4b:s1+s4], $0x80, v8, vm0, $0xb8;
	[tilespmem:$0x11800] =	vst v63  }
0x222: {  	s26 =	simm.s32 $0x6000  }
0x223: {  	[tilespmem:s26], [sflag:$0x1] =	stream.indirect_vreg.gather [hbm4b:s6+s4], $0x80, v8, vm0, $0xb8;
	[tilespmem:$0x11800] =	vst v63  }
0x224: {  	s28 =	simm.s32 $0x6800  }
0x225: {  	[tilespmem:s28], [sflag:$0x1] =	stream.indirect_vreg.gather [hbm4b:s1+s4], $0x80, v7, vm0, $0xb8;
	[tilespmem:$0x11800] =	vst v63  }
0x226: {  	s29 =	simm.s32 $0x7000  }
0x227: {  	[tilespmem:s29], [sflag:$0x1] =	stream.indirect_vreg.gather [hbm4b:s6+s4], $0x80, v7, vm0, $0xb8;
	[tilespmem:$0x11800] =	vst v63  }
0x228: {  	v7 =	vld [tilespmem:s24+$0x130];
	_ =	sdelay $0x4  }
0x229: {  	v8 =	vshll.u32 v7, $0x2  }
0x22a: {  	v7 =	vand.u32 $0x7, v7;
	v8 =	vand.u32 $0xFFFFFFE0, v8  }
0x22b: {  	v7 =	vor.u32 v7, v8  }
0x22c: {  	v8 =	vperm.xlane v7, v0;
	_ =	sdelay $0x1  }
0x22d: {  	v8 =	vadd.s32 v2, v8;
	_ =	sdelay $0x2  }
0x22e: {  	v7 =	vperm.xlane v7, v3  }
0x22f: {  	s30 =	simm.s32 $0x7800  }
0x230: {  	v7 =	vadd.s32 v2, v7;
	[tilespmem:s30], [sflag:$0x1] =	stream.indirect_vreg.gather [hbm4b:s1+s4], $0x80, v8, vm0, $0xb8;
	[tilespmem:$0x11800] =	vst v63  }
0x231: {  	s31 =	simm.s32 $0x8000  }
0x232: {  	[tilespmem:s31], [sflag:$0x1] =	stream.indirect_vreg.gather [hbm4b:s6+s4], $0x80, v8, vm0, $0xb8;
	[tilespmem:$0x11800] =	vst v63  }
.Ltmp7:
0x233: {  	_ = 	snop;
	(pc) =	sbr.rel .LBB2_8-.Ltmp7, $4  }
0x234: {  	_ = 	snop  }
0x235: {  	[tilespmem:s14], [sflag:$0x1] =	stream.indirect_vreg.gather [hbm4b:s1+s4], $0x80, v7, vm0, $0xb8;
	[tilespmem:$0x11800] =	vst v63  }
0x236: {  	_ = 	snop  }
0x237: {  	[tilespmem:s15], [sflag:$0x1] =	stream.indirect_vreg.gather [hbm4b:s6+s4], $0x80, v7, vm0, $0xb8;
	[tilespmem:$0x11800] =	vst v63  }
.LBB2_10:
0x238: {  	_ =	sfence.sel $0x180000  }
0x239: {  	[bflag:$0x0] =	sbarrier.arrive $0xFFFF  }
0x23a: {  	_ =	strace $0x90000047  }
0x23b: {  	s0 =	stileid.u32;
	[bflag:$0x2] =	sbarrier.arrive $0xFFFF  }
0x23c: {  	p0 =	sne.s32 s0, $0x0;
	s0 =	rddreg [dreg:$0x3]  }
0x23d: {  	s0 =	sadd.s32 @!p0 $0x100000, s0  }
0x23e: {  	[sflag:s0] =	ssyncadd.tile.s32 @!p0 $0x1;
	_ =	shalt  }
.Lfunc_end2:
_tile_overlayer_lowered:
.L_overlay_start_2:
0x23f: {  	(tag) =	ssettag $0x2  }
0x240: {  	s0 =	rddreg [dreg:$0x0];
	s2 =	stileid.u32  }
0x241: {  	s1 =	rddreg [dreg:$0x1];
	p0 =	sne.s32 s2, $0x0  }
0x242: {  	s3 =	rddreg [dreg:$0x2];
	[bflag:$0x3] =	sbarrier.arrive $0xFFFF;
	s2 =	simm.s32 @!p0 $0x1C05  }
0x243: {  	[timem:s3], [sflag:s2] =	dma.local @!p0 [hbm:s0], s1  }
0x244: {  	s0 =	simm.s32 @!p0 $0x5  }
0x245: {  	_ =	swait.ge @!p0 [sflag:s0], s1  }
0x246: {  	s1 =	ssub.s32 @!p0 $0x0, s1;
	[sflag:s0] =	ssyncset.done @!p0 $0x0  }
0x247: {  	[sflag:s0] =	ssyncadd.s32 @!p0 s1  }
0x248: {  	[bflag:$0x3] =	sbarrier.arrive $0xFFFF  }
0x249: {  	_ =	shalt  }

</sc_bundles>
